<compile_context>
chip_gen: v7x
topology: tpu7x:2x2x1
jax: 0.10.2.dev20260603
libtpu: 0.0.44.dev20260713+nightly
codegen_flags: <defaults>
</compile_context>

<pallas_src>
import functools
import jax
import jax.numpy as jnp
from jax import lax
from jax.experimental import pallas as pl
from jax.experimental.pallas import tpu as pltpu
from jax.experimental.pallas import tpu_sc as plsc

IMG = 64
NU = 64
SHEET = IMG * NU
NB = 4
NSL = SHEET // 128
TC_BANDS = 56
SC_BANDS = NU - TC_BANDS
SC_ROWS = SC_BANDS * IMG // 32
SC_CH = 4
SC_NCH = SC_ROWS // SC_CH
SC_OUT_ROWS = 32 * SC_NCH


def _tc_body(x2_ref, h_ref, som_ref, var_ref, out_ref, s_ref):
    i = pl.program_id(0)
    x2 = x2_ref[...]
    for c in range(NSL):
        som4 = som_ref[:, c * 128:(c + 1) * 128].reshape(NB, IMG, 128)
        var4 = var_ref[:, c * 128:(c + 1) * 128].reshape(NB, IMG, 128)
        d = som4 - x2[None]
        e = (d * d) / var4
        s_ref[c * NB:(c + 1) * NB, :] = jnp.sum(e, axis=1)
    dists = jnp.dot(s_ref[...], h_ref[...], preferred_element_type=jnp.float32)
    m = jnp.min(dists)

    @pl.when(i == 0)
    def _():
        out_ref[0, 0] = m

    @pl.when(i > 0)
    def _():
        out_ref[0, 0] = jnp.minimum(out_ref[0, 0], m)


def _tc_part(som, running_variance, x):
    x2 = jnp.tile(x, (1, 2))
    hr = lax.broadcasted_iota(jnp.int32, (128, 2), 0) // IMG
    hc = lax.broadcasted_iota(jnp.int32, (128, 2), 1)
    h = (hr == hc).astype(jnp.float32)
    res = pl.pallas_call(
        _tc_body,
        grid=(TC_BANDS // NB,),
        in_specs=[
            pl.BlockSpec((IMG, 128), lambda i: (0, 0)),
            pl.BlockSpec((128, 2), lambda i: (0, 0)),
            pl.BlockSpec((NB * IMG, SHEET), lambda i: (i, 0)),
            pl.BlockSpec((NB * IMG, SHEET), lambda i: (i, 0)),
        ],
        out_specs=pl.BlockSpec(memory_space=pltpu.SMEM),
        out_shape=jax.ShapeDtypeStruct((1, 1), jnp.float32),
        scratch_shapes=[pltpu.VMEM((NSL * NB, 128), jnp.float32)],
    )(x2, h, som, running_variance)
    return res


_SC_MESH = plsc.VectorSubcoreMesh(core_axis_name="c", subcore_axis_name="s")


@functools.partial(
    pl.kernel,
    out_type=jax.ShapeDtypeStruct((SC_OUT_ROWS, SHEET), jnp.float32),
    mesh=_SC_MESH,
    scratch_types=[
        pltpu.VMEM((IMG, IMG), jnp.float32),
        pltpu.VMEM((SC_CH, SHEET), jnp.float32),
        pltpu.VMEM((SC_CH, SHEET), jnp.float32),
        pltpu.VMEM((SHEET,), jnp.float32),
    ],
)
def _sc_kernel(som_hbm, var_hbm, x_hbm, out_hbm, x_v, som_v, var_v, acc_v):
    c = lax.axis_index("c")
    s = lax.axis_index("s")
    w = c * 16 + s
    r0 = TC_BANDS * IMG + w * SC_ROWS
    xbase = (w * SC_ROWS) % IMG
    pltpu.sync_copy(x_hbm, x_v)

    for chunk in range(SC_NCH):
        pltpu.sync_copy(som_hbm.at[pl.ds(r0 + chunk * SC_CH, SC_CH), :], som_v)
        pltpu.sync_copy(var_hbm.at[pl.ds(r0 + chunk * SC_CH, SC_CH), :], var_v)

        @functools.partial(plsc.parallel_loop, 0, NU, unroll=2)
        def _(jq, chunk=chunk):
            base = jq * 64
            for k in range(4):
                col = base + k * 16
                a = jnp.zeros((16,), jnp.float32)
                for r in range(SC_CH):
                    sv = som_v[r, pl.ds(col, 16)]
                    vv = var_v[r, pl.ds(col, 16)]
                    xr = xbase + chunk * SC_CH + r
                    d = sv - x_v[xr, pl.ds(k * 16, 16)]
                    a = a + d * d / vv
                acc_v[pl.ds(col, 16)] = a

        pltpu.sync_copy(acc_v, out_hbm.at[w * SC_NCH + chunk])


def _epi_body(tc_ref, g_ref, a_ref, out_ref):
    p = a_ref[...].reshape(SC_BANDS, 16, SHEET).sum(axis=1)
    dists = jnp.dot(p, g_ref[...], preferred_element_type=jnp.float32)
    out_ref[0, 0] = jnp.minimum(tc_ref[0, 0], jnp.min(dists))


@jax.jit
def kernel(som, running_variance, x):
    tc_min = _tc_part(som, running_variance, x)
    sc_acc = _sc_kernel(som, running_variance, x)
    gr = lax.broadcasted_iota(jnp.int32, (SHEET, NU), 0) // IMG
    gc = lax.broadcasted_iota(jnp.int32, (SHEET, NU), 1)
    g = (gr == gc).astype(jnp.float32)
    res = pl.pallas_call(
        _epi_body,
        in_specs=[
            pl.BlockSpec(memory_space=pltpu.SMEM),
            pl.BlockSpec((SHEET, NU), lambda: (0, 0)),
            pl.BlockSpec((SC_OUT_ROWS, SHEET), lambda: (0, 0)),
        ],
        out_specs=pl.BlockSpec(memory_space=pltpu.SMEM),
        out_shape=jax.ShapeDtypeStruct((1, 1), jnp.float32),
    )(tc_min, g, sc_acc)
    return res[0, 0]

# --- scband reference (transcript-rebuilt; emitter-appended) ---
"""Pipeline reference for scband-network-39195871543703 (READ-ONLY COPY).

The authoritative reference and input builder live on the scoring server;
editing this copy changes nothing except your own understanding.
"""

import jax, jax.numpy as jnp
import numpy as np

IMG_SIZE = 64
N_UNITS = 64

def setup_inputs(seed: int = 0) -> dict:
    key = jax.random.key(seed)
    k1, k2 = jax.random.split(key)
    shape = IMG_SIZE * N_UNITS
    som = jax.random.normal(k1, (shape, shape), dtype=jnp.float32) * 0.3 + 0.1
    som = jnp.clip(som, 0.0, 1.0)
    running_variance = jnp.ones((shape, shape), dtype=jnp.float32) * 0.5
    x = jax.random.uniform(k2, (IMG_SIZE, IMG_SIZE), dtype=jnp.float32)
    return {"som": som, "running_variance": running_variance, "x": x}

def _unit_view(sheet):
    # [n_units*imgSize, n_units*imgSize] -> [n_units*n_units, imgSize, imgSize]
    u = sheet.reshape(N_UNITS, IMG_SIZE, N_UNITS, IMG_SIZE)
    u = jnp.transpose(u, (0, 2, 1, 3))
    return u.reshape(N_UNITS * N_UNITS, IMG_SIZE, IMG_SIZE)

def reference(som, running_variance, x):
    # CustomDistanceLayer: variance-normalized squared distance between the
    # input image x and every SOM unit's prototype patch.
    units = _unit_view(som)
    var = _unit_view(running_variance)
    diff = units - x[None, :, :]
    dist = jnp.sum((diff * diff) / var, axis=(1, 2))  # [n_units*n_units]
    # MinLayer: best-matching-unit distance (min over all units)
    return jnp.min(dist)

if __name__ == "__main__":
    import jax
    _d = setup_inputs()
    print(jax.jit(kernel)(*tuple(_d.values())))

</pallas_src>

<mosaic_0001>
#map = affine_map<(d0, d1) -> (0, 0)>
module attributes {stable_mosaic.version = 14 : i64} {
  func.func @_sc_kernel(%arg0: i32, %arg1: i32, %arg2: memref<4096x4096xf32, #tpu.memory_space<hbm>>, %arg3: memref<4096x4096xf32, #tpu.memory_space<hbm>>, %arg4: memref<64x64xf32, #tpu.memory_space<hbm>>, %arg5: memref<128x4096xf32, #tpu.memory_space<hbm>>, %arg6: memref<64x64xf32, #tpu.memory_space<vmem>>, %arg7: memref<4x4096xf32, #tpu.memory_space<vmem>>, %arg8: memref<4x4096xf32, #tpu.memory_space<vmem>>, %arg9: memref<4096xf32, #tpu.memory_space<vmem>>) attributes {dimension_semantics = [#tpu.dimension_semantics<core_parallel>, #tpu.dimension_semantics<subcore_parallel>], iteration_bounds = array<i64: 2, 16>, scalar_prefetch = 0 : i64, scratch_operands = 4 : i64, tpu.core_type = #tpu.core_type<sc_vector_subcore>, window_params = [{transform_indices = #map}, {transform_indices = #map}, {transform_indices = #map}, {transform_indices = #map}]} {
    %mul3A = arith.constant 16 : i32
    %mul3A_0 = arith.muli %arg0, %mul3A : i32
    %add3A = arith.addi %mul3A_0, %arg1 : i32
    %mul3A_1 = arith.constant 16 : i32
    %mul3A_2 = arith.muli %add3A, %mul3A_1 : i32
    %add3A_3 = arith.constant 3584 : i32
    %add3A_4 = arith.addi %add3A_3, %mul3A_2 : i32
    %mul3A_5 = arith.constant 16 : i32
    %mul3A_6 = arith.muli %add3A, %mul3A_5 : i32
    %jit3A = arith.constant 64 : i32
    %eq3A = arith.constant 0 : i32
    %eq3A_7 = arith.cmpi eq, %jit3A, %eq3A : i32
    %jit3A_8 = arith.constant 1 : i32
    %select_n3A = arith.select %eq3A_7, %jit3A_8, %jit3A : i32
    %rem3A = arith.remsi %mul3A_6, %select_n3A : i32
    %ne3A = arith.constant 0 : i32
    %ne3A_9 = arith.cmpi ne, %rem3A, %ne3A : i32
    %lt3A = arith.constant 0 : i32
    %lt3A_10 = arith.cmpi slt, %rem3A, %lt3A : i32
    %lt3A_11 = arith.constant 0 : i32
    %lt3A_12 = arith.cmpi slt, %select_n3A, %lt3A_11 : i32
    %ne3A_13 = arith.xori %lt3A_10, %lt3A_12 : i1
    %and3A = arith.andi %ne3A_13, %ne3A_9 : i1
    %add3A_14 = arith.addi %rem3A, %select_n3A : i32
    %select_n3A_15 = arith.select %and3A, %add3A_14, %rem3A : i32
    "tpu.region"() ({
      %run_scoped3A = tpu.sem_alloc : memref<!tpu.dma_semaphore, #tpu.memory_space<semaphore_mem>>
      tpu.enqueue_dma source(%arg4 : memref<64x64xf32, #tpu.memory_space<hbm>>) target(%arg6 : memref<64x64xf32, #tpu.memory_space<vmem>>) target_semaphore(%run_scoped3A : memref<!tpu.dma_semaphore, #tpu.memory_space<semaphore_mem>>)
      tpu.wait_dma2 semaphore(%run_scoped3A : memref<!tpu.dma_semaphore, #tpu.memory_space<semaphore_mem>>) src(%arg4 : memref<64x64xf32, #tpu.memory_space<hbm>>) dst(%arg6 : memref<64x64xf32, #tpu.memory_space<vmem>>)
      tpu.yield
    }) : () -> ()
    %add3A_16 = arith.constant 0 : i32
    %add3A_17 = arith.addi %add3A_4, %add3A_16 : i32
    "tpu.region"() ({
      %run_scoped3A = tpu.sem_alloc : memref<!tpu.dma_semaphore, #tpu.memory_space<semaphore_mem>>
      %dma_start3A = arith.constant 0 : i32
      %dma_start3A_48 = tpu.memref_slice %arg2[%add3A_17, %dma_start3A] : memref<4096x4096xf32, #tpu.memory_space<hbm>> -> memref<4x4096xf32, #tpu.memory_space<hbm>>
      %dma_start3A_49 = arith.constant 0 : i32
      %dma_start3A_50 = tpu.memref_slice %arg2[%add3A_17, %dma_start3A_49] : memref<4096x4096xf32, #tpu.memory_space<hbm>> -> memref<4x4096xf32, #tpu.memory_space<hbm>>
      tpu.enqueue_dma source(%dma_start3A_50 : memref<4x4096xf32, #tpu.memory_space<hbm>>) target(%arg7 : memref<4x4096xf32, #tpu.memory_space<vmem>>) target_semaphore(%run_scoped3A : memref<!tpu.dma_semaphore, #tpu.memory_space<semaphore_mem>>)
      %dma_wait3A = arith.constant 0 : i32
      %dma_wait3A_51 = tpu.memref_slice %arg2[%add3A_17, %dma_wait3A] : memref<4096x4096xf32, #tpu.memory_space<hbm>> -> memref<4x4096xf32, #tpu.memory_space<hbm>>
      %dma_wait3A_52 = arith.constant 0 : i32
      %dma_wait3A_53 = tpu.memref_slice %arg2[%add3A_17, %dma_wait3A_52] : memref<4096x4096xf32, #tpu.memory_space<hbm>> -> memref<4x4096xf32, #tpu.memory_space<hbm>>
      tpu.wait_dma2 semaphore(%run_scoped3A : memref<!tpu.dma_semaphore, #tpu.memory_space<semaphore_mem>>) src(%dma_wait3A_53 : memref<4x4096xf32, #tpu.memory_space<hbm>>) dst(%arg7 : memref<4x4096xf32, #tpu.memory_space<vmem>>)
      tpu.yield
    }) : () -> ()
    %add3A_18 = arith.constant 0 : i32
    %add3A_19 = arith.addi %add3A_4, %add3A_18 : i32
    "tpu.region"() ({
      %run_scoped3A = tpu.sem_alloc : memref<!tpu.dma_semaphore, #tpu.memory_space<semaphore_mem>>
      %dma_start3A = arith.constant 0 : i32
      %dma_start3A_48 = tpu.memref_slice %arg3[%add3A_19, %dma_start3A] : memref<4096x4096xf32, #tpu.memory_space<hbm>> -> memref<4x4096xf32, #tpu.memory_space<hbm>>
      %dma_start3A_49 = arith.constant 0 : i32
      %dma_start3A_50 = tpu.memref_slice %arg3[%add3A_19, %dma_start3A_49] : memref<4096x4096xf32, #tpu.memory_space<hbm>> -> memref<4x4096xf32, #tpu.memory_space<hbm>>
      tpu.enqueue_dma source(%dma_start3A_50 : memref<4x4096xf32, #tpu.memory_space<hbm>>) target(%arg8 : memref<4x4096xf32, #tpu.memory_space<vmem>>) target_semaphore(%run_scoped3A : memref<!tpu.dma_semaphore, #tpu.memory_space<semaphore_mem>>)
      %dma_wait3A = arith.constant 0 : i32
      %dma_wait3A_51 = tpu.memref_slice %arg3[%add3A_19, %dma_wait3A] : memref<4096x4096xf32, #tpu.memory_space<hbm>> -> memref<4x4096xf32, #tpu.memory_space<hbm>>
      %dma_wait3A_52 = arith.constant 0 : i32
      %dma_wait3A_53 = tpu.memref_slice %arg3[%add3A_19, %dma_wait3A_52] : memref<4096x4096xf32, #tpu.memory_space<hbm>> -> memref<4x4096xf32, #tpu.memory_space<hbm>>
      tpu.wait_dma2 semaphore(%run_scoped3A : memref<!tpu.dma_semaphore, #tpu.memory_space<semaphore_mem>>) src(%dma_wait3A_53 : memref<4x4096xf32, #tpu.memory_space<hbm>>) dst(%arg8 : memref<4x4096xf32, #tpu.memory_space<vmem>>)
      tpu.yield
    }) : () -> ()
    %mul3A_20 = arith.constant 4 : i32
    %mul3A_21 = arith.muli %add3A, %mul3A_20 : i32
    %add3A_22 = arith.constant 0 : i32
    %add3A_23 = arith.addi %mul3A_21, %add3A_22 : i32
    "tpu.region"() ({
      %run_scoped3A = tpu.sem_alloc : memref<!tpu.dma_semaphore, #tpu.memory_space<semaphore_mem>>
      %dma_start3A = arith.constant 0 : i32
      %dma_start3A_48 = tpu.memref_slice %arg5[%add3A_23, %dma_start3A] : memref<128x4096xf32, #tpu.memory_space<hbm>> -> memref<1x4096xf32, #tpu.memory_space<hbm>>
      %dma_start3A_49 = tpu.memref_squeeze %dma_start3A_48 : memref<1x4096xf32, #tpu.memory_space<hbm>> -> memref<4096xf32, #tpu.memory_space<hbm>>
      %dma_start3A_50 = arith.constant 0 : i32
      %dma_start3A_51 = tpu.memref_slice %arg5[%add3A_23, %dma_start3A_50] : memref<128x4096xf32, #tpu.memory_space<hbm>> -> memref<1x4096xf32, #tpu.memory_space<hbm>>
      %dma_start3A_52 = tpu.memref_squeeze %dma_start3A_51 : memref<1x4096xf32, #tpu.memory_space<hbm>> -> memref<4096xf32, #tpu.memory_space<hbm>>
      tpu.enqueue_dma source(%arg9 : memref<4096xf32, #tpu.memory_space<vmem>>) target(%dma_start3A_52 : memref<4096xf32, #tpu.memory_space<hbm>>) target_semaphore(%run_scoped3A : memref<!tpu.dma_semaphore, #tpu.memory_space<semaphore_mem>>)
      %dma_wait3A = arith.constant 0 : i32
      %dma_wait3A_53 = tpu.memref_slice %arg5[%add3A_23, %dma_wait3A] : memref<128x4096xf32, #tpu.memory_space<hbm>> -> memref<1x4096xf32, #tpu.memory_space<hbm>>
      %dma_wait3A_54 = tpu.memref_squeeze %dma_wait3A_53 : memref<1x4096xf32, #tpu.memory_space<hbm>> -> memref<4096xf32, #tpu.memory_space<hbm>>
      %dma_wait3A_55 = arith.constant 0 : i32
      %dma_wait3A_56 = tpu.memref_slice %arg5[%add3A_23, %dma_wait3A_55] : memref<128x4096xf32, #tpu.memory_space<hbm>> -> memref<1x4096xf32, #tpu.memory_space<hbm>>
      %dma_wait3A_57 = tpu.memref_squeeze %dma_wait3A_56 : memref<1x4096xf32, #tpu.memory_space<hbm>> -> memref<4096xf32, #tpu.memory_space<hbm>>
      tpu.wait_dma2 semaphore(%run_scoped3A : memref<!tpu.dma_semaphore, #tpu.memory_space<semaphore_mem>>) src(%arg9 : memref<4096xf32, #tpu.memory_space<vmem>>) dst(%dma_wait3A_57 : memref<4096xf32, #tpu.memory_space<hbm>>)
      tpu.yield
    }) : () -> ()
    %add3A_24 = arith.constant 4 : i32
    %add3A_25 = arith.addi %add3A_4, %add3A_24 : i32
    "tpu.region"() ({
      %run_scoped3A = tpu.sem_alloc : memref<!tpu.dma_semaphore, #tpu.memory_space<semaphore_mem>>
      %dma_start3A = arith.constant 0 : i32
      %dma_start3A_48 = tpu.memref_slice %arg2[%add3A_25, %dma_start3A] : memref<4096x4096xf32, #tpu.memory_space<hbm>> -> memref<4x4096xf32, #tpu.memory_space<hbm>>
      %dma_start3A_49 = arith.constant 0 : i32
      %dma_start3A_50 = tpu.memref_slice %arg2[%add3A_25, %dma_start3A_49] : memref<4096x4096xf32, #tpu.memory_space<hbm>> -> memref<4x4096xf32, #tpu.memory_space<hbm>>
      tpu.enqueue_dma source(%dma_start3A_50 : memref<4x4096xf32, #tpu.memory_space<hbm>>) target(%arg7 : memref<4x4096xf32, #tpu.memory_space<vmem>>) target_semaphore(%run_scoped3A : memref<!tpu.dma_semaphore, #tpu.memory_space<semaphore_mem>>)
      %dma_wait3A = arith.constant 0 : i32
      %dma_wait3A_51 = tpu.memref_slice %arg2[%add3A_25, %dma_wait3A] : memref<4096x4096xf32, #tpu.memory_space<hbm>> -> memref<4x4096xf32, #tpu.memory_space<hbm>>
      %dma_wait3A_52 = arith.constant 0 : i32
      %dma_wait3A_53 = tpu.memref_slice %arg2[%add3A_25, %dma_wait3A_52] : memref<4096x4096xf32, #tpu.memory_space<hbm>> -> memref<4x4096xf32, #tpu.memory_space<hbm>>
      tpu.wait_dma2 semaphore(%run_scoped3A : memref<!tpu.dma_semaphore, #tpu.memory_space<semaphore_mem>>) src(%dma_wait3A_53 : memref<4x4096xf32, #tpu.memory_space<hbm>>) dst(%arg7 : memref<4x4096xf32, #tpu.memory_space<vmem>>)
      tpu.yield
    }) : () -> ()
    %add3A_26 = arith.constant 4 : i32
    %add3A_27 = arith.addi %add3A_4, %add3A_26 : i32
    "tpu.region"() ({
      %run_scoped3A = tpu.sem_alloc : memref<!tpu.dma_semaphore, #tpu.memory_space<semaphore_mem>>
      %dma_start3A = arith.constant 0 : i32
      %dma_start3A_48 = tpu.memref_slice %arg3[%add3A_27, %dma_start3A] : memref<4096x4096xf32, #tpu.memory_space<hbm>> -> memref<4x4096xf32, #tpu.memory_space<hbm>>
      %dma_start3A_49 = arith.constant 0 : i32
      %dma_start3A_50 = tpu.memref_slice %arg3[%add3A_27, %dma_start3A_49] : memref<4096x4096xf32, #tpu.memory_space<hbm>> -> memref<4x4096xf32, #tpu.memory_space<hbm>>
      tpu.enqueue_dma source(%dma_start3A_50 : memref<4x4096xf32, #tpu.memory_space<hbm>>) target(%arg8 : memref<4x4096xf32, #tpu.memory_space<vmem>>) target_semaphore(%run_scoped3A : memref<!tpu.dma_semaphore, #tpu.memory_space<semaphore_mem>>)
      %dma_wait3A = arith.constant 0 : i32
      %dma_wait3A_51 = tpu.memref_slice %arg3[%add3A_27, %dma_wait3A] : memref<4096x4096xf32, #tpu.memory_space<hbm>> -> memref<4x4096xf32, #tpu.memory_space<hbm>>
      %dma_wait3A_52 = arith.constant 0 : i32
      %dma_wait3A_53 = tpu.memref_slice %arg3[%add3A_27, %dma_wait3A_52] : memref<4096x4096xf32, #tpu.memory_space<hbm>> -> memref<4x4096xf32, #tpu.memory_space<hbm>>
      tpu.wait_dma2 semaphore(%run_scoped3A : memref<!tpu.dma_semaphore, #tpu.memory_space<semaphore_mem>>) src(%dma_wait3A_53 : memref<4x4096xf32, #tpu.memory_space<hbm>>) dst(%arg8 : memref<4x4096xf32, #tpu.memory_space<vmem>>)
      tpu.yield
    }) : () -> ()
    %mul3A_28 = arith.constant 4 : i32
    %mul3A_29 = arith.muli %add3A, %mul3A_28 : i32
    %add3A_30 = arith.constant 1 : i32
    %add3A_31 = arith.addi %mul3A_29, %add3A_30 : i32
    "tpu.region"() ({
      %run_scoped3A = tpu.sem_alloc : memref<!tpu.dma_semaphore, #tpu.memory_space<semaphore_mem>>
      %dma_start3A = arith.constant 0 : i32
      %dma_start3A_48 = tpu.memref_slice %arg5[%add3A_31, %dma_start3A] : memref<128x4096xf32, #tpu.memory_space<hbm>> -> memref<1x4096xf32, #tpu.memory_space<hbm>>
      %dma_start3A_49 = tpu.memref_squeeze %dma_start3A_48 : memref<1x4096xf32, #tpu.memory_space<hbm>> -> memref<4096xf32, #tpu.memory_space<hbm>>
      %dma_start3A_50 = arith.constant 0 : i32
      %dma_start3A_51 = tpu.memref_slice %arg5[%add3A_31, %dma_start3A_50] : memref<128x4096xf32, #tpu.memory_space<hbm>> -> memref<1x4096xf32, #tpu.memory_space<hbm>>
      %dma_start3A_52 = tpu.memref_squeeze %dma_start3A_51 : memref<1x4096xf32, #tpu.memory_space<hbm>> -> memref<4096xf32, #tpu.memory_space<hbm>>
      tpu.enqueue_dma source(%arg9 : memref<4096xf32, #tpu.memory_space<vmem>>) target(%dma_start3A_52 : memref<4096xf32, #tpu.memory_space<hbm>>) target_semaphore(%run_scoped3A : memref<!tpu.dma_semaphore, #tpu.memory_space<semaphore_mem>>)
      %dma_wait3A = arith.constant 0 : i32
      %dma_wait3A_53 = tpu.memref_slice %arg5[%add3A_31, %dma_wait3A] : memref<128x4096xf32, #tpu.memory_space<hbm>> -> memref<1x4096xf32, #tpu.memory_space<hbm>>
      %dma_wait3A_54 = tpu.memref_squeeze %dma_wait3A_53 : memref<1x4096xf32, #tpu.memory_space<hbm>> -> memref<4096xf32, #tpu.memory_space<hbm>>
      %dma_wait3A_55 = arith.constant 0 : i32
      %dma_wait3A_56 = tpu.memref_slice %arg5[%add3A_31, %dma_wait3A_55] : memref<128x4096xf32, #tpu.memory_space<hbm>> -> memref<1x4096xf32, #tpu.memory_space<hbm>>
      %dma_wait3A_57 = tpu.memref_squeeze %dma_wait3A_56 : memref<1x4096xf32, #tpu.memory_space<hbm>> -> memref<4096xf32, #tpu.memory_space<hbm>>
      tpu.wait_dma2 semaphore(%run_scoped3A : memref<!tpu.dma_semaphore, #tpu.memory_space<semaphore_mem>>) src(%arg9 : memref<4096xf32, #tpu.memory_space<vmem>>) dst(%dma_wait3A_57 : memref<4096xf32, #tpu.memory_space<hbm>>)
      tpu.yield
    }) : () -> ()
    %add3A_32 = arith.constant 8 : i32
    %add3A_33 = arith.addi %add3A_4, %add3A_32 : i32
    "tpu.region"() ({
      %run_scoped3A = tpu.sem_alloc : memref<!tpu.dma_semaphore, #tpu.memory_space<semaphore_mem>>
      %dma_start3A = arith.constant 0 : i32
      %dma_start3A_48 = tpu.memref_slice %arg2[%add3A_33, %dma_start3A] : memref<4096x4096xf32, #tpu.memory_space<hbm>> -> memref<4x4096xf32, #tpu.memory_space<hbm>>
      %dma_start3A_49 = arith.constant 0 : i32
      %dma_start3A_50 = tpu.memref_slice %arg2[%add3A_33, %dma_start3A_49] : memref<4096x4096xf32, #tpu.memory_space<hbm>> -> memref<4x4096xf32, #tpu.memory_space<hbm>>
      tpu.enqueue_dma source(%dma_start3A_50 : memref<4x4096xf32, #tpu.memory_space<hbm>>) target(%arg7 : memref<4x4096xf32, #tpu.memory_space<vmem>>) target_semaphore(%run_scoped3A : memref<!tpu.dma_semaphore, #tpu.memory_space<semaphore_mem>>)
      %dma_wait3A = arith.constant 0 : i32
      %dma_wait3A_51 = tpu.memref_slice %arg2[%add3A_33, %dma_wait3A] : memref<4096x4096xf32, #tpu.memory_space<hbm>> -> memref<4x4096xf32, #tpu.memory_space<hbm>>
      %dma_wait3A_52 = arith.constant 0 : i32
      %dma_wait3A_53 = tpu.memref_slice %arg2[%add3A_33, %dma_wait3A_52] : memref<4096x4096xf32, #tpu.memory_space<hbm>> -> memref<4x4096xf32, #tpu.memory_space<hbm>>
      tpu.wait_dma2 semaphore(%run_scoped3A : memref<!tpu.dma_semaphore, #tpu.memory_space<semaphore_mem>>) src(%dma_wait3A_53 : memref<4x4096xf32, #tpu.memory_space<hbm>>) dst(%arg7 : memref<4x4096xf32, #tpu.memory_space<vmem>>)
      tpu.yield
    }) : () -> ()
    %add3A_34 = arith.constant 8 : i32
    %add3A_35 = arith.addi %add3A_4, %add3A_34 : i32
    "tpu.region"() ({
      %run_scoped3A = tpu.sem_alloc : memref<!tpu.dma_semaphore, #tpu.memory_space<semaphore_mem>>
      %dma_start3A = arith.constant 0 : i32
      %dma_start3A_48 = tpu.memref_slice %arg3[%add3A_35, %dma_start3A] : memref<4096x4096xf32, #tpu.memory_space<hbm>> -> memref<4x4096xf32, #tpu.memory_space<hbm>>
      %dma_start3A_49 = arith.constant 0 : i32
      %dma_start3A_50 = tpu.memref_slice %arg3[%add3A_35, %dma_start3A_49] : memref<4096x4096xf32, #tpu.memory_space<hbm>> -> memref<4x4096xf32, #tpu.memory_space<hbm>>
      tpu.enqueue_dma source(%dma_start3A_50 : memref<4x4096xf32, #tpu.memory_space<hbm>>) target(%arg8 : memref<4x4096xf32, #tpu.memory_space<vmem>>) target_semaphore(%run_scoped3A : memref<!tpu.dma_semaphore, #tpu.memory_space<semaphore_mem>>)
      %dma_wait3A = arith.constant 0 : i32
      %dma_wait3A_51 = tpu.memref_slice %arg3[%add3A_35, %dma_wait3A] : memref<4096x4096xf32, #tpu.memory_space<hbm>> -> memref<4x4096xf32, #tpu.memory_space<hbm>>
      %dma_wait3A_52 = arith.constant 0 : i32
      %dma_wait3A_53 = tpu.memref_slice %arg3[%add3A_35, %dma_wait3A_52] : memref<4096x4096xf32, #tpu.memory_space<hbm>> -> memref<4x4096xf32, #tpu.memory_space<hbm>>
      tpu.wait_dma2 semaphore(%run_scoped3A : memref<!tpu.dma_semaphore, #tpu.memory_space<semaphore_mem>>) src(%dma_wait3A_53 : memref<4x4096xf32, #tpu.memory_space<hbm>>) dst(%arg8 : memref<4x4096xf32, #tpu.memory_space<vmem>>)
      tpu.yield
    }) : () -> ()
    %mul3A_36 = arith.constant 4 : i32
    %mul3A_37 = arith.muli %add3A, %mul3A_36 : i32
    %add3A_38 = arith.constant 2 : i32
    %add3A_39 = arith.addi %mul3A_37, %add3A_38 : i32
    "tpu.region"() ({
      %run_scoped3A = tpu.sem_alloc : memref<!tpu.dma_semaphore, #tpu.memory_space<semaphore_mem>>
      %dma_start3A = arith.constant 0 : i32
      %dma_start3A_48 = tpu.memref_slice %arg5[%add3A_39, %dma_start3A] : memref<128x4096xf32, #tpu.memory_space<hbm>> -> memref<1x4096xf32, #tpu.memory_space<hbm>>
      %dma_start3A_49 = tpu.memref_squeeze %dma_start3A_48 : memref<1x4096xf32, #tpu.memory_space<hbm>> -> memref<4096xf32, #tpu.memory_space<hbm>>
      %dma_start3A_50 = arith.constant 0 : i32
      %dma_start3A_51 = tpu.memref_slice %arg5[%add3A_39, %dma_start3A_50] : memref<128x4096xf32, #tpu.memory_space<hbm>> -> memref<1x4096xf32, #tpu.memory_space<hbm>>
      %dma_start3A_52 = tpu.memref_squeeze %dma_start3A_51 : memref<1x4096xf32, #tpu.memory_space<hbm>> -> memref<4096xf32, #tpu.memory_space<hbm>>
      tpu.enqueue_dma source(%arg9 : memref<4096xf32, #tpu.memory_space<vmem>>) target(%dma_start3A_52 : memref<4096xf32, #tpu.memory_space<hbm>>) target_semaphore(%run_scoped3A : memref<!tpu.dma_semaphore, #tpu.memory_space<semaphore_mem>>)
      %dma_wait3A = arith.constant 0 : i32
      %dma_wait3A_53 = tpu.memref_slice %arg5[%add3A_39, %dma_wait3A] : memref<128x4096xf32, #tpu.memory_space<hbm>> -> memref<1x4096xf32, #tpu.memory_space<hbm>>
      %dma_wait3A_54 = tpu.memref_squeeze %dma_wait3A_53 : memref<1x4096xf32, #tpu.memory_space<hbm>> -> memref<4096xf32, #tpu.memory_space<hbm>>
      %dma_wait3A_55 = arith.constant 0 : i32
      %dma_wait3A_56 = tpu.memref_slice %arg5[%add3A_39, %dma_wait3A_55] : memref<128x4096xf32, #tpu.memory_space<hbm>> -> memref<1x4096xf32, #tpu.memory_space<hbm>>
      %dma_wait3A_57 = tpu.memref_squeeze %dma_wait3A_56 : memref<1x4096xf32, #tpu.memory_space<hbm>> -> memref<4096xf32, #tpu.memory_space<hbm>>
      tpu.wait_dma2 semaphore(%run_scoped3A : memref<!tpu.dma_semaphore, #tpu.memory_space<semaphore_mem>>) src(%arg9 : memref<4096xf32, #tpu.memory_space<vmem>>) dst(%dma_wait3A_57 : memref<4096xf32, #tpu.memory_space<hbm>>)
      tpu.yield
    }) : () -> ()
    %add3A_40 = arith.constant 12 : i32
    %add3A_41 = arith.addi %add3A_4, %add3A_40 : i32
    "tpu.region"() ({
      %run_scoped3A = tpu.sem_alloc : memref<!tpu.dma_semaphore, #tpu.memory_space<semaphore_mem>>
      %dma_start3A = arith.constant 0 : i32
      %dma_start3A_48 = tpu.memref_slice %arg2[%add3A_41, %dma_start3A] : memref<4096x4096xf32, #tpu.memory_space<hbm>> -> memref<4x4096xf32, #tpu.memory_space<hbm>>
      %dma_start3A_49 = arith.constant 0 : i32
      %dma_start3A_50 = tpu.memref_slice %arg2[%add3A_41, %dma_start3A_49] : memref<4096x4096xf32, #tpu.memory_space<hbm>> -> memref<4x4096xf32, #tpu.memory_space<hbm>>
      tpu.enqueue_dma source(%dma_start3A_50 : memref<4x4096xf32, #tpu.memory_space<hbm>>) target(%arg7 : memref<4x4096xf32, #tpu.memory_space<vmem>>) target_semaphore(%run_scoped3A : memref<!tpu.dma_semaphore, #tpu.memory_space<semaphore_mem>>)
      %dma_wait3A = arith.constant 0 : i32
      %dma_wait3A_51 = tpu.memref_slice %arg2[%add3A_41, %dma_wait3A] : memref<4096x4096xf32, #tpu.memory_space<hbm>> -> memref<4x4096xf32, #tpu.memory_space<hbm>>
      %dma_wait3A_52 = arith.constant 0 : i32
      %dma_wait3A_53 = tpu.memref_slice %arg2[%add3A_41, %dma_wait3A_52] : memref<4096x4096xf32, #tpu.memory_space<hbm>> -> memref<4x4096xf32, #tpu.memory_space<hbm>>
      tpu.wait_dma2 semaphore(%run_scoped3A : memref<!tpu.dma_semaphore, #tpu.memory_space<semaphore_mem>>) src(%dma_wait3A_53 : memref<4x4096xf32, #tpu.memory_space<hbm>>) dst(%arg7 : memref<4x4096xf32, #tpu.memory_space<vmem>>)
      tpu.yield
    }) : () -> ()
    %add3A_42 = arith.constant 12 : i32
    %add3A_43 = arith.addi %add3A_4, %add3A_42 : i32
    "tpu.region"() ({
      %run_scoped3A = tpu.sem_alloc : memref<!tpu.dma_semaphore, #tpu.memory_space<semaphore_mem>>
      %dma_start3A = arith.constant 0 : i32
      %dma_start3A_48 = tpu.memref_slice %arg3[%add3A_43, %dma_start3A] : memref<4096x4096xf32, #tpu.memory_space<hbm>> -> memref<4x4096xf32, #tpu.memory_space<hbm>>
      %dma_start3A_49 = arith.constant 0 : i32
      %dma_start3A_50 = tpu.memref_slice %arg3[%add3A_43, %dma_start3A_49] : memref<4096x4096xf32, #tpu.memory_space<hbm>> -> memref<4x4096xf32, #tpu.memory_space<hbm>>
      tpu.enqueue_dma source(%dma_start3A_50 : memref<4x4096xf32, #tpu.memory_space<hbm>>) target(%arg8 : memref<4x4096xf32, #tpu.memory_space<vmem>>) target_semaphore(%run_scoped3A : memref<!tpu.dma_semaphore, #tpu.memory_space<semaphore_mem>>)
      %dma_wait3A = arith.constant 0 : i32
      %dma_wait3A_51 = tpu.memref_slice %arg3[%add3A_43, %dma_wait3A] : memref<4096x4096xf32, #tpu.memory_space<hbm>> -> memref<4x4096xf32, #tpu.memory_space<hbm>>
      %dma_wait3A_52 = arith.constant 0 : i32
      %dma_wait3A_53 = tpu.memref_slice %arg3[%add3A_43, %dma_wait3A_52] : memref<4096x4096xf32, #tpu.memory_space<hbm>> -> memref<4x4096xf32, #tpu.memory_space<hbm>>
      tpu.wait_dma2 semaphore(%run_scoped3A : memref<!tpu.dma_semaphore, #tpu.memory_space<semaphore_mem>>) src(%dma_wait3A_53 : memref<4x4096xf32, #tpu.memory_space<hbm>>) dst(%arg8 : memref<4x4096xf32, #tpu.memory_space<vmem>>)
      tpu.yield
    }) : () -> ()
    %mul3A_44 = arith.constant 4 : i32
    %mul3A_45 = arith.muli %add3A, %mul3A_44 : i32
    %add3A_46 = arith.constant 3 : i32
    %add3A_47 = arith.addi %mul3A_45, %add3A_46 : i32
    "tpu.region"() ({
      %run_scoped3A = tpu.sem_alloc : memref<!tpu.dma_semaphore, #tpu.memory_space<semaphore_mem>>
      %dma_start3A = arith.constant 0 : i32
      %dma_start3A_48 = tpu.memref_slice %arg5[%add3A_47, %dma_start3A] : memref<128x4096xf32, #tpu.memory_space<hbm>> -> memref<1x4096xf32, #tpu.memory_space<hbm>>
      %dma_start3A_49 = tpu.memref_squeeze %dma_start3A_48 : memref<1x4096xf32, #tpu.memory_space<hbm>> -> memref<4096xf32, #tpu.memory_space<hbm>>
      %dma_start3A_50 = arith.constant 0 : i32
      %dma_start3A_51 = tpu.memref_slice %arg5[%add3A_47, %dma_start3A_50] : memref<128x4096xf32, #tpu.memory_space<hbm>> -> memref<1x4096xf32, #tpu.memory_space<hbm>>
      %dma_start3A_52 = tpu.memref_squeeze %dma_start3A_51 : memref<1x4096xf32, #tpu.memory_space<hbm>> -> memref<4096xf32, #tpu.memory_space<hbm>>
      tpu.enqueue_dma source(%arg9 : memref<4096xf32, #tpu.memory_space<vmem>>) target(%dma_start3A_52 : memref<4096xf32, #tpu.memory_space<hbm>>) target_semaphore(%run_scoped3A : memref<!tpu.dma_semaphore, #tpu.memory_space<semaphore_mem>>)
      %dma_wait3A = arith.constant 0 : i32
      %dma_wait3A_53 = tpu.memref_slice %arg5[%add3A_47, %dma_wait3A] : memref<128x4096xf32, #tpu.memory_space<hbm>> -> memref<1x4096xf32, #tpu.memory_space<hbm>>
      %dma_wait3A_54 = tpu.memref_squeeze %dma_wait3A_53 : memref<1x4096xf32, #tpu.memory_space<hbm>> -> memref<4096xf32, #tpu.memory_space<hbm>>
      %dma_wait3A_55 = arith.constant 0 : i32
      %dma_wait3A_56 = tpu.memref_slice %arg5[%add3A_47, %dma_wait3A_55] : memref<128x4096xf32, #tpu.memory_space<hbm>> -> memref<1x4096xf32, #tpu.memory_space<hbm>>
      %dma_wait3A_57 = tpu.memref_squeeze %dma_wait3A_56 : memref<1x4096xf32, #tpu.memory_space<hbm>> -> memref<4096xf32, #tpu.memory_space<hbm>>
      tpu.wait_dma2 semaphore(%run_scoped3A : memref<!tpu.dma_semaphore, #tpu.memory_space<semaphore_mem>>) src(%arg9 : memref<4096xf32, #tpu.memory_space<vmem>>) dst(%dma_wait3A_57 : memref<4096xf32, #tpu.memory_space<hbm>>)
      tpu.yield
    }) : () -> ()
    return
  }
}

module attributes {stable_mosaic.version = 14 : i64} {
  func.func @_tc_body(%arg0: i32, %arg1: memref<64x128xf32, #tpu.memory_space<vmem>>, %arg2: memref<128x2xf32, #tpu.memory_space<vmem>>, %arg3: memref<256x4096xf32, #tpu.memory_space<vmem>>, %arg4: memref<256x4096xf32, #tpu.memory_space<vmem>>, %arg5: memref<1x1xf32, #tpu.memory_space<smem>>, %arg6: memref<128x128xf32, #tpu.memory_space<vmem>>) attributes {dimension_semantics = [#tpu.dimension_semantics<arbitrary>], iteration_bounds = array<i64: 14>, scalar_prefetch = 0 : i64, scratch_operands = 1 : i64, tpu.core_type = #tpu.core_type<tc>, window_params = [{pipeline_mode = #tpu.pipeline_mode<synchronous>, transform_indices = @transform_0, window_bounds = array<i64: 64, 128>}, {pipeline_mode = #tpu.pipeline_mode<synchronous>, transform_indices = @transform_1, window_bounds = array<i64: 128, 2>}, {transform_indices = @transform_2, window_bounds = array<i64: 256, 4096>}, {transform_indices = @transform_3, window_bounds = array<i64: 256, 4096>}, {transform_indices = @transform_4, window_bounds = array<i64: 1, 1>}]} {
    %get3A = arith.constant 0 : index
    %get3A_0 = arith.constant 0 : index
    %get3A_1 = vector.load %arg1[%get3A, %get3A_0] : memref<64x128xf32, #tpu.memory_space<vmem>>, vector<64x128xf32>
    %get3A_2 = arith.constant 0 : index
    %get3A_3 = arith.constant 0 : index
    %get3A_4 = vector.load %arg3[%get3A_2, %get3A_3] : memref<256x4096xf32, #tpu.memory_space<vmem>>, vector<256x128xf32>
    %reshape3A = vector.shape_cast %get3A_4 : vector<256x128xf32> to vector<4x64x128xf32>
    %get3A_5 = arith.constant 0 : index
    %get3A_6 = arith.constant 0 : index
    %get3A_7 = vector.load %arg4[%get3A_5, %get3A_6] : memref<256x4096xf32, #tpu.memory_space<vmem>>, vector<256x128xf32>
    %reshape3A_8 = vector.shape_cast %get3A_7 : vector<256x128xf32> to vector<4x64x128xf32>
    %broadcast_in_dim3A = vector.shape_cast %get3A_1 : vector<64x128xf32> to vector<1x64x128xf32>
    %sub3A = vector.broadcast %broadcast_in_dim3A : vector<1x64x128xf32> to vector<4x64x128xf32>
    %sub3A_9 = arith.subf %reshape3A, %sub3A : vector<4x64x128xf32>
    %mul3A = arith.mulf %sub3A_9, %sub3A_9 : vector<4x64x128xf32>
    %div3A = arith.divf %mul3A, %reshape3A_8 : vector<4x64x128xf32>
    %reduce_sum3A = arith.constant dense<0.000000e+00> : vector<4x128xf32>
    %reduce_sum3A_10 = vector.multi_reduction <add>, %div3A, %reduce_sum3A [1] : vector<4x64x128xf32> to vector<4x128xf32>
    %swap3A = arith.constant 0 : index
    %swap3A_11 = arith.constant 0 : index
    %swap3A_12 = vector.load %arg6[%swap3A, %swap3A_11] : memref<128x128xf32, #tpu.memory_space<vmem>>, vector<4x128xf32>
    tpu.vector_store %arg6[%swap3A, %swap3A_11], %reduce_sum3A_10 {strides = array<i32>} : memref<128x128xf32, #tpu.memory_space<vmem>>, vector<4x128xf32>,
    %get3A_13 = arith.constant 0 : index
    %get3A_14 = arith.constant 128 : index
    %get3A_15 = vector.load %arg3[%get3A_13, %get3A_14] : memref<256x4096xf32, #tpu.memory_space<vmem>>, vector<256x128xf32>
    %reshape3A_16 = vector.shape_cast %get3A_15 : vector<256x128xf32> to vector<4x64x128xf32>
    %get3A_17 = arith.constant 0 : index
    %get3A_18 = arith.constant 128 : index
    %get3A_19 = vector.load %arg4[%get3A_17, %get3A_18] : memref<256x4096xf32, #tpu.memory_space<vmem>>, vector<256x128xf32>
    %reshape3A_20 = vector.shape_cast %get3A_19 : vector<256x128xf32> to vector<4x64x128xf32>
    %broadcast_in_dim3A_21 = vector.shape_cast %get3A_1 : vector<64x128xf32> to vector<1x64x128xf32>
    %sub3A_22 = vector.broadcast %broadcast_in_dim3A_21 : vector<1x64x128xf32> to vector<4x64x128xf32>
    %sub3A_23 = arith.subf %reshape3A_16, %sub3A_22 : vector<4x64x128xf32>
    %mul3A_24 = arith.mulf %sub3A_23, %sub3A_23 : vector<4x64x128xf32>
    %div3A_25 = arith.divf %mul3A_24, %reshape3A_20 : vector<4x64x128xf32>
    %reduce_sum3A_26 = arith.constant dense<0.000000e+00> : vector<4x128xf32>
    %reduce_sum3A_27 = vector.multi_reduction <add>, %div3A_25, %reduce_sum3A_26 [1] : vector<4x64x128xf32> to vector<4x128xf32>
    %swap3A_28 = arith.constant 4 : index
    %swap3A_29 = arith.constant 0 : index
    %swap3A_30 = vector.load %arg6[%swap3A_28, %swap3A_29] : memref<128x128xf32, #tpu.memory_space<vmem>>, vector<4x128xf32>
    tpu.vector_store %arg6[%swap3A_28, %swap3A_29], %reduce_sum3A_27 {strides = array<i32>} : memref<128x128xf32, #tpu.memory_space<vmem>>, vector<4x128xf32>,
    %get3A_31 = arith.constant 0 : index
    %get3A_32 = arith.constant 256 : index
    %get3A_33 = vector.load %arg3[%get3A_31, %get3A_32] : memref<256x4096xf32, #tpu.memory_space<vmem>>, vector<256x128xf32>
    %reshape3A_34 = vector.shape_cast %get3A_33 : vector<256x128xf32> to vector<4x64x128xf32>
    %get3A_35 = arith.constant 0 : index
    %get3A_36 = arith.constant 256 : index
    %get3A_37 = vector.load %arg4[%get3A_35, %get3A_36] : memref<256x4096xf32, #tpu.memory_space<vmem>>, vector<256x128xf32>
    %reshape3A_38 = vector.shape_cast %get3A_37 : vector<256x128xf32> to vector<4x64x128xf32>
    %broadcast_in_dim3A_39 = vector.shape_cast %get3A_1 : vector<64x128xf32> to vector<1x64x128xf32>
    %sub3A_40 = vector.broadcast %broadcast_in_dim3A_39 : vector<1x64x128xf32> to vector<4x64x128xf32>
    %sub3A_41 = arith.subf %reshape3A_34, %sub3A_40 : vector<4x64x128xf32>
    %mul3A_42 = arith.mulf %sub3A_41, %sub3A_41 : vector<4x64x128xf32>
    %div3A_43 = arith.divf %mul3A_42, %reshape3A_38 : vector<4x64x128xf32>
    %reduce_sum3A_44 = arith.constant dense<0.000000e+00> : vector<4x128xf32>
    %reduce_sum3A_45 = vector.multi_reduction <add>, %div3A_43, %reduce_sum3A_44 [1] : vector<4x64x128xf32> to vector<4x128xf32>
    %swap3A_46 = arith.constant 8 : index
    %swap3A_47 = arith.constant 0 : index
    %swap3A_48 = vector.load %arg6[%swap3A_46, %swap3A_47] : memref<128x128xf32, #tpu.memory_space<vmem>>, vector<4x128xf32>
    tpu.vector_store %arg6[%swap3A_46, %swap3A_47], %reduce_sum3A_45 {strides = array<i32>} : memref<128x128xf32, #tpu.memory_space<vmem>>, vector<4x128xf32>,
    %get3A_49 = arith.constant 0 : index
    %get3A_50 = arith.constant 384 : index
    %get3A_51 = vector.load %arg3[%get3A_49, %get3A_50] : memref<256x4096xf32, #tpu.memory_space<vmem>>, vector<256x128xf32>
    %reshape3A_52 = vector.shape_cast %get3A_51 : vector<256x128xf32> to vector<4x64x128xf32>
    %get3A_53 = arith.constant 0 : index
    %get3A_54 = arith.constant 384 : index
    %get3A_55 = vector.load %arg4[%get3A_53, %get3A_54] : memref<256x4096xf32, #tpu.memory_space<vmem>>, vector<256x128xf32>
    %reshape3A_56 = vector.shape_cast %get3A_55 : vector<256x128xf32> to vector<4x64x128xf32>
    %broadcast_in_dim3A_57 = vector.shape_cast %get3A_1 : vector<64x128xf32> to vector<1x64x128xf32>
    %sub3A_58 = vector.broadcast %broadcast_in_dim3A_57 : vector<1x64x128xf32> to vector<4x64x128xf32>
    %sub3A_59 = arith.subf %reshape3A_52, %sub3A_58 : vector<4x64x128xf32>
    %mul3A_60 = arith.mulf %sub3A_59, %sub3A_59 : vector<4x64x128xf32>
    %div3A_61 = arith.divf %mul3A_60, %reshape3A_56 : vector<4x64x128xf32>
    %reduce_sum3A_62 = arith.constant dense<0.000000e+00> : vector<4x128xf32>
    %reduce_sum3A_63 = vector.multi_reduction <add>, %div3A_61, %reduce_sum3A_62 [1] : vector<4x64x128xf32> to vector<4x128xf32>
    %swap3A_64 = arith.constant 12 : index
    %swap3A_65 = arith.constant 0 : index
    %swap3A_66 = vector.load %arg6[%swap3A_64, %swap3A_65] : memref<128x128xf32, #tpu.memory_space<vmem>>, vector<4x128xf32>
    tpu.vector_store %arg6[%swap3A_64, %swap3A_65], %reduce_sum3A_63 {strides = array<i32>} : memref<128x128xf32, #tpu.memory_space<vmem>>, vector<4x128xf32>,
    %get3A_67 = arith.constant 0 : index
    %get3A_68 = arith.constant 512 : index
    %get3A_69 = vector.load %arg3[%get3A_67, %get3A_68] : memref<256x4096xf32, #tpu.memory_space<vmem>>, vector<256x128xf32>
    %reshape3A_70 = vector.shape_cast %get3A_69 : vector<256x128xf32> to vector<4x64x128xf32>
    %get3A_71 = arith.constant 0 : index
    %get3A_72 = arith.constant 512 : index
    %get3A_73 = vector.load %arg4[%get3A_71, %get3A_72] : memref<256x4096xf32, #tpu.memory_space<vmem>>, vector<256x128xf32>
    %reshape3A_74 = vector.shape_cast %get3A_73 : vector<256x128xf32> to vector<4x64x128xf32>
    %broadcast_in_dim3A_75 = vector.shape_cast %get3A_1 : vector<64x128xf32> to vector<1x64x128xf32>
    %sub3A_76 = vector.broadcast %broadcast_in_dim3A_75 : vector<1x64x128xf32> to vector<4x64x128xf32>
    %sub3A_77 = arith.subf %reshape3A_70, %sub3A_76 : vector<4x64x128xf32>
    %mul3A_78 = arith.mulf %sub3A_77, %sub3A_77 : vector<4x64x128xf32>
    %div3A_79 = arith.divf %mul3A_78, %reshape3A_74 : vector<4x64x128xf32>
    %reduce_sum3A_80 = arith.constant dense<0.000000e+00> : vector<4x128xf32>
    %reduce_sum3A_81 = vector.multi_reduction <add>, %div3A_79, %reduce_sum3A_80 [1] : vector<4x64x128xf32> to vector<4x128xf32>
    %swap3A_82 = arith.constant 16 : index
    %swap3A_83 = arith.constant 0 : index
    %swap3A_84 = vector.load %arg6[%swap3A_82, %swap3A_83] : memref<128x128xf32, #tpu.memory_space<vmem>>, vector<4x128xf32>
    tpu.vector_store %arg6[%swap3A_82, %swap3A_83], %reduce_sum3A_81 {strides = array<i32>} : memref<128x128xf32, #tpu.memory_space<vmem>>, vector<4x128xf32>,
    %get3A_85 = arith.constant 0 : index
    %get3A_86 = arith.constant 640 : index
    %get3A_87 = vector.load %arg3[%get3A_85, %get3A_86] : memref<256x4096xf32, #tpu.memory_space<vmem>>, vector<256x128xf32>
    %reshape3A_88 = vector.shape_cast %get3A_87 : vector<256x128xf32> to vector<4x64x128xf32>
    %get3A_89 = arith.constant 0 : index
    %get3A_90 = arith.constant 640 : index
    %get3A_91 = vector.load %arg4[%get3A_89, %get3A_90] : memref<256x4096xf32, #tpu.memory_space<vmem>>, vector<256x128xf32>
    %reshape3A_92 = vector.shape_cast %get3A_91 : vector<256x128xf32> to vector<4x64x128xf32>
    %broadcast_in_dim3A_93 = vector.shape_cast %get3A_1 : vector<64x128xf32> to vector<1x64x128xf32>
    %sub3A_94 = vector.broadcast %broadcast_in_dim3A_93 : vector<1x64x128xf32> to vector<4x64x128xf32>
    %sub3A_95 = arith.subf %reshape3A_88, %sub3A_94 : vector<4x64x128xf32>
    %mul3A_96 = arith.mulf %sub3A_95, %sub3A_95 : vector<4x64x128xf32>
    %div3A_97 = arith.divf %mul3A_96, %reshape3A_92 : vector<4x64x128xf32>
    %reduce_sum3A_98 = arith.constant dense<0.000000e+00> : vector<4x128xf32>
    %reduce_sum3A_99 = vector.multi_reduction <add>, %div3A_97, %reduce_sum3A_98 [1] : vector<4x64x128xf32> to vector<4x128xf32>
    %swap3A_100 = arith.constant 20 : index
    %swap3A_101 = arith.constant 0 : index
    %swap3A_102 = vector.load %arg6[%swap3A_100, %swap3A_101] : memref<128x128xf32, #tpu.memory_space<vmem>>, vector<4x128xf32>
    tpu.vector_store %arg6[%swap3A_100, %swap3A_101], %reduce_sum3A_99 {strides = array<i32>} : memref<128x128xf32, #tpu.memory_space<vmem>>, vector<4x128xf32>,
    %get3A_103 = arith.constant 0 : index
    %get3A_104 = arith.constant 768 : index
    %get3A_105 = vector.load %arg3[%get3A_103, %get3A_104] : memref<256x4096xf32, #tpu.memory_space<vmem>>, vector<256x128xf32>
    %reshape3A_106 = vector.shape_cast %get3A_105 : vector<256x128xf32> to vector<4x64x128xf32>
    %get3A_107 = arith.constant 0 : index
    %get3A_108 = arith.constant 768 : index
    %get3A_109 = vector.load %arg4[%get3A_107, %get3A_108] : memref<256x4096xf32, #tpu.memory_space<vmem>>, vector<256x128xf32>
    %reshape3A_110 = vector.shape_cast %get3A_109 : vector<256x128xf32> to vector<4x64x128xf32>
    %broadcast_in_dim3A_111 = vector.shape_cast %get3A_1 : vector<64x128xf32> to vector<1x64x128xf32>
    %sub3A_112 = vector.broadcast %broadcast_in_dim3A_111 : vector<1x64x128xf32> to vector<4x64x128xf32>
    %sub3A_113 = arith.subf %reshape3A_106, %sub3A_112 : vector<4x64x128xf32>
    %mul3A_114 = arith.mulf %sub3A_113, %sub3A_113 : vector<4x64x128xf32>
    %div3A_115 = arith.divf %mul3A_114, %reshape3A_110 : vector<4x64x128xf32>
    %reduce_sum3A_116 = arith.constant dense<0.000000e+00> : vector<4x128xf32>
    %reduce_sum3A_117 = vector.multi_reduction <add>, %div3A_115, %reduce_sum3A_116 [1] : vector<4x64x128xf32> to vector<4x128xf32>
    %swap3A_118 = arith.constant 24 : index
    %swap3A_119 = arith.constant 0 : index
    %swap3A_120 = vector.load %arg6[%swap3A_118, %swap3A_119] : memref<128x128xf32, #tpu.memory_space<vmem>>, vector<4x128xf32>
    tpu.vector_store %arg6[%swap3A_118, %swap3A_119], %reduce_sum3A_117 {strides = array<i32>} : memref<128x128xf32, #tpu.memory_space<vmem>>, vector<4x128xf32>,
    %get3A_121 = arith.constant 0 : index
    %get3A_122 = arith.constant 896 : index
    %get3A_123 = vector.load %arg3[%get3A_121, %get3A_122] : memref<256x4096xf32, #tpu.memory_space<vmem>>, vector<256x128xf32>
    %reshape3A_124 = vector.shape_cast %get3A_123 : vector<256x128xf32> to vector<4x64x128xf32>
    %get3A_125 = arith.constant 0 : index
    %get3A_126 = arith.constant 896 : index
    %get3A_127 = vector.load %arg4[%get3A_125, %get3A_126] : memref<256x4096xf32, #tpu.memory_space<vmem>>, vector<256x128xf32>
    %reshape3A_128 = vector.shape_cast %get3A_127 : vector<256x128xf32> to vector<4x64x128xf32>
    %broadcast_in_dim3A_129 = vector.shape_cast %get3A_1 : vector<64x128xf32> to vector<1x64x128xf32>
    %sub3A_130 = vector.broadcast %broadcast_in_dim3A_129 : vector<1x64x128xf32> to vector<4x64x128xf32>
    %sub3A_131 = arith.subf %reshape3A_124, %sub3A_130 : vector<4x64x128xf32>
    %mul3A_132 = arith.mulf %sub3A_131, %sub3A_131 : vector<4x64x128xf32>
    %div3A_133 = arith.divf %mul3A_132, %reshape3A_128 : vector<4x64x128xf32>
    %reduce_sum3A_134 = arith.constant dense<0.000000e+00> : vector<4x128xf32>
    %reduce_sum3A_135 = vector.multi_reduction <add>, %div3A_133, %reduce_sum3A_134 [1] : vector<4x64x128xf32> to vector<4x128xf32>
    %swap3A_136 = arith.constant 28 : index
    %swap3A_137 = arith.constant 0 : index
    %swap3A_138 = vector.load %arg6[%swap3A_136, %swap3A_137] : memref<128x128xf32, #tpu.memory_space<vmem>>, vector<4x128xf32>
    tpu.vector_store %arg6[%swap3A_136, %swap3A_137], %reduce_sum3A_135 {strides = array<i32>} : memref<128x128xf32, #tpu.memory_space<vmem>>, vector<4x128xf32>,
    %get3A_139 = arith.constant 0 : index
    %get3A_140 = arith.constant 1024 : index
    %get3A_141 = vector.load %arg3[%get3A_139, %get3A_140] : memref<256x4096xf32, #tpu.memory_space<vmem>>, vector<256x128xf32>
    %reshape3A_142 = vector.shape_cast %get3A_141 : vector<256x128xf32> to vector<4x64x128xf32>
    %get3A_143 = arith.constant 0 : index
    %get3A_144 = arith.constant 1024 : index
    %get3A_145 = vector.load %arg4[%get3A_143, %get3A_144] : memref<256x4096xf32, #tpu.memory_space<vmem>>, vector<256x128xf32>
    %reshape3A_146 = vector.shape_cast %get3A_145 : vector<256x128xf32> to vector<4x64x128xf32>
    %broadcast_in_dim3A_147 = vector.shape_cast %get3A_1 : vector<64x128xf32> to vector<1x64x128xf32>
    %sub3A_148 = vector.broadcast %broadcast_in_dim3A_147 : vector<1x64x128xf32> to vector<4x64x128xf32>
    %sub3A_149 = arith.subf %reshape3A_142, %sub3A_148 : vector<4x64x128xf32>
    %mul3A_150 = arith.mulf %sub3A_149, %sub3A_149 : vector<4x64x128xf32>
    %div3A_151 = arith.divf %mul3A_150, %reshape3A_146 : vector<4x64x128xf32>
    %reduce_sum3A_152 = arith.constant dense<0.000000e+00> : vector<4x128xf32>
    %reduce_sum3A_153 = vector.multi_reduction <add>, %div3A_151, %reduce_sum3A_152 [1] : vector<4x64x128xf32> to vector<4x128xf32>
    %swap3A_154 = arith.constant 32 : index
    %swap3A_155 = arith.constant 0 : index
    %swap3A_156 = vector.load %arg6[%swap3A_154, %swap3A_155] : memref<128x128xf32, #tpu.memory_space<vmem>>, vector<4x128xf32>
    tpu.vector_store %arg6[%swap3A_154, %swap3A_155], %reduce_sum3A_153 {strides = array<i32>} : memref<128x128xf32, #tpu.memory_space<vmem>>, vector<4x128xf32>,
    %get3A_157 = arith.constant 0 : index
    %get3A_158 = arith.constant 1152 : index
    %get3A_159 = vector.load %arg3[%get3A_157, %get3A_158] : memref<256x4096xf32, #tpu.memory_space<vmem>>, vector<256x128xf32>
    %reshape3A_160 = vector.shape_cast %get3A_159 : vector<256x128xf32> to vector<4x64x128xf32>
    %get3A_161 = arith.constant 0 : index
    %get3A_162 = arith.constant 1152 : index
    %get3A_163 = vector.load %arg4[%get3A_161, %get3A_162] : memref<256x4096xf32, #tpu.memory_space<vmem>>, vector<256x128xf32>
    %reshape3A_164 = vector.shape_cast %get3A_163 : vector<256x128xf32> to vector<4x64x128xf32>
    %broadcast_in_dim3A_165 = vector.shape_cast %get3A_1 : vector<64x128xf32> to vector<1x64x128xf32>
    %sub3A_166 = vector.broadcast %broadcast_in_dim3A_165 : vector<1x64x128xf32> to vector<4x64x128xf32>
    %sub3A_167 = arith.subf %reshape3A_160, %sub3A_166 : vector<4x64x128xf32>
    %mul3A_168 = arith.mulf %sub3A_167, %sub3A_167 : vector<4x64x128xf32>
    %div3A_169 = arith.divf %mul3A_168, %reshape3A_164 : vector<4x64x128xf32>
    %reduce_sum3A_170 = arith.constant dense<0.000000e+00> : vector<4x128xf32>
    %reduce_sum3A_171 = vector.multi_reduction <add>, %div3A_169, %reduce_sum3A_170 [1] : vector<4x64x128xf32> to vector<4x128xf32>
    %swap3A_172 = arith.constant 36 : index
    %swap3A_173 = arith.constant 0 : index
    %swap3A_174 = vector.load %arg6[%swap3A_172, %swap3A_173] : memref<128x128xf32, #tpu.memory_space<vmem>>, vector<4x128xf32>
    tpu.vector_store %arg6[%swap3A_172, %swap3A_173], %reduce_sum3A_171 {strides = array<i32>} : memref<128x128xf32, #tpu.memory_space<vmem>>, vector<4x128xf32>,
    %get3A_175 = arith.constant 0 : index
    %get3A_176 = arith.constant 1280 : index
    %get3A_177 = vector.load %arg3[%get3A_175, %get3A_176] : memref<256x4096xf32, #tpu.memory_space<vmem>>, vector<256x128xf32>
    %reshape3A_178 = vector.shape_cast %get3A_177 : vector<256x128xf32> to vector<4x64x128xf32>
    %get3A_179 = arith.constant 0 : index
    %get3A_180 = arith.constant 1280 : index
    %get3A_181 = vector.load %arg4[%get3A_179, %get3A_180] : memref<256x4096xf32, #tpu.memory_space<vmem>>, vector<256x128xf32>
    %reshape3A_182 = vector.shape_cast %get3A_181 : vector<256x128xf32> to vector<4x64x128xf32>
    %broadcast_in_dim3A_183 = vector.shape_cast %get3A_1 : vector<64x128xf32> to vector<1x64x128xf32>
    %sub3A_184 = vector.broadcast %broadcast_in_dim3A_183 : vector<1x64x128xf32> to vector<4x64x128xf32>
    %sub3A_185 = arith.subf %reshape3A_178, %sub3A_184 : vector<4x64x128xf32>
    %mul3A_186 = arith.mulf %sub3A_185, %sub3A_185 : vector<4x64x128xf32>
    %div3A_187 = arith.divf %mul3A_186, %reshape3A_182 : vector<4x64x128xf32>
    %reduce_sum3A_188 = arith.constant dense<0.000000e+00> : vector<4x128xf32>
    %reduce_sum3A_189 = vector.multi_reduction <add>, %div3A_187, %reduce_sum3A_188 [1] : vector<4x64x128xf32> to vector<4x128xf32>
    %swap3A_190 = arith.constant 40 : index
    %swap3A_191 = arith.constant 0 : index
    %swap3A_192 = vector.load %arg6[%swap3A_190, %swap3A_191] : memref<128x128xf32, #tpu.memory_space<vmem>>, vector<4x128xf32>
    tpu.vector_store %arg6[%swap3A_190, %swap3A_191], %reduce_sum3A_189 {strides = array<i32>} : memref<128x128xf32, #tpu.memory_space<vmem>>, vector<4x128xf32>,
    %get3A_193 = arith.constant 0 : index
    %get3A_194 = arith.constant 1408 : index
    %get3A_195 = vector.load %arg3[%get3A_193, %get3A_194] : memref<256x4096xf32, #tpu.memory_space<vmem>>, vector<256x128xf32>
    %reshape3A_196 = vector.shape_cast %get3A_195 : vector<256x128xf32> to vector<4x64x128xf32>
    %get3A_197 = arith.constant 0 : index
    %get3A_198 = arith.constant 1408 : index
    %get3A_199 = vector.load %arg4[%get3A_197, %get3A_198] : memref<256x4096xf32, #tpu.memory_space<vmem>>, vector<256x128xf32>
    %reshape3A_200 = vector.shape_cast %get3A_199 : vector<256x128xf32> to vector<4x64x128xf32>
    %broadcast_in_dim3A_201 = vector.shape_cast %get3A_1 : vector<64x128xf32> to vector<1x64x128xf32>
    %sub3A_202 = vector.broadcast %broadcast_in_dim3A_201 : vector<1x64x128xf32> to vector<4x64x128xf32>
    %sub3A_203 = arith.subf %reshape3A_196, %sub3A_202 : vector<4x64x128xf32>
    %mul3A_204 = arith.mulf %sub3A_203, %sub3A_203 : vector<4x64x128xf32>
    %div3A_205 = arith.divf %mul3A_204, %reshape3A_200 : vector<4x64x128xf32>
    %reduce_sum3A_206 = arith.constant dense<0.000000e+00> : vector<4x128xf32>
    %reduce_sum3A_207 = vector.multi_reduction <add>, %div3A_205, %reduce_sum3A_206 [1] : vector<4x64x128xf32> to vector<4x128xf32>
    %swap3A_208 = arith.constant 44 : index
    %swap3A_209 = arith.constant 0 : index
    %swap3A_210 = vector.load %arg6[%swap3A_208, %swap3A_209] : memref<128x128xf32, #tpu.memory_space<vmem>>, vector<4x128xf32>
    tpu.vector_store %arg6[%swap3A_208, %swap3A_209], %reduce_sum3A_207 {strides = array<i32>} : memref<128x128xf32, #tpu.memory_space<vmem>>, vector<4x128xf32>,
    %get3A_211 = arith.constant 0 : index
    %get3A_212 = arith.constant 1536 : index
    %get3A_213 = vector.load %arg3[%get3A_211, %get3A_212] : memref<256x4096xf32, #tpu.memory_space<vmem>>, vector<256x128xf32>
    %reshape3A_214 = vector.shape_cast %get3A_213 : vector<256x128xf32> to vector<4x64x128xf32>
    %get3A_215 = arith.constant 0 : index
    %get3A_216 = arith.constant 1536 : index
    %get3A_217 = vector.load %arg4[%get3A_215, %get3A_216] : memref<256x4096xf32, #tpu.memory_space<vmem>>, vector<256x128xf32>
    %reshape3A_218 = vector.shape_cast %get3A_217 : vector<256x128xf32> to vector<4x64x128xf32>
    %broadcast_in_dim3A_219 = vector.shape_cast %get3A_1 : vector<64x128xf32> to vector<1x64x128xf32>
    %sub3A_220 = vector.broadcast %broadcast_in_dim3A_219 : vector<1x64x128xf32> to vector<4x64x128xf32>
    %sub3A_221 = arith.subf %reshape3A_214, %sub3A_220 : vector<4x64x128xf32>
    %mul3A_222 = arith.mulf %sub3A_221, %sub3A_221 : vector<4x64x128xf32>
    %div3A_223 = arith.divf %mul3A_222, %reshape3A_218 : vector<4x64x128xf32>
    %reduce_sum3A_224 = arith.constant dense<0.000000e+00> : vector<4x128xf32>
    %reduce_sum3A_225 = vector.multi_reduction <add>, %div3A_223, %reduce_sum3A_224 [1] : vector<4x64x128xf32> to vector<4x128xf32>
    %swap3A_226 = arith.constant 48 : index
    %swap3A_227 = arith.constant 0 : index
    %swap3A_228 = vector.load %arg6[%swap3A_226, %swap3A_227] : memref<128x128xf32, #tpu.memory_space<vmem>>, vector<4x128xf32>
    tpu.vector_store %arg6[%swap3A_226, %swap3A_227], %reduce_sum3A_225 {strides = array<i32>} : memref<128x128xf32, #tpu.memory_space<vmem>>, vector<4x128xf32>,
    %get3A_229 = arith.constant 0 : index
    %get3A_230 = arith.constant 1664 : index
    %get3A_231 = vector.load %arg3[%get3A_229, %get3A_230] : memref<256x4096xf32, #tpu.memory_space<vmem>>, vector<256x128xf32>
    %reshape3A_232 = vector.shape_cast %get3A_231 : vector<256x128xf32> to vector<4x64x128xf32>
    %get3A_233 = arith.constant 0 : index
    %get3A_234 = arith.constant 1664 : index
    %get3A_235 = vector.load %arg4[%get3A_233, %get3A_234] : memref<256x4096xf32, #tpu.memory_space<vmem>>, vector<256x128xf32>
    %reshape3A_236 = vector.shape_cast %get3A_235 : vector<256x128xf32> to vector<4x64x128xf32>
    %broadcast_in_dim3A_237 = vector.shape_cast %get3A_1 : vector<64x128xf32> to vector<1x64x128xf32>
    %sub3A_238 = vector.broadcast %broadcast_in_dim3A_237 : vector<1x64x128xf32> to vector<4x64x128xf32>
    %sub3A_239 = arith.subf %reshape3A_232, %sub3A_238 : vector<4x64x128xf32>
    %mul3A_240 = arith.mulf %sub3A_239, %sub3A_239 : vector<4x64x128xf32>
    %div3A_241 = arith.divf %mul3A_240, %reshape3A_236 : vector<4x64x128xf32>
    %reduce_sum3A_242 = arith.constant dense<0.000000e+00> : vector<4x128xf32>
    %reduce_sum3A_243 = vector.multi_reduction <add>, %div3A_241, %reduce_sum3A_242 [1] : vector<4x64x128xf32> to vector<4x128xf32>
    %swap3A_244 = arith.constant 52 : index
    %swap3A_245 = arith.constant 0 : index
    %swap3A_246 = vector.load %arg6[%swap3A_244, %swap3A_245] : memref<128x128xf32, #tpu.memory_space<vmem>>, vector<4x128xf32>
    tpu.vector_store %arg6[%swap3A_244, %swap3A_245], %reduce_sum3A_243 {strides = array<i32>} : memref<128x128xf32, #tpu.memory_space<vmem>>, vector<4x128xf32>,
    %get3A_247 = arith.constant 0 : index
    %get3A_248 = arith.constant 1792 : index
    %get3A_249 = vector.load %arg3[%get3A_247, %get3A_248] : memref<256x4096xf32, #tpu.memory_space<vmem>>, vector<256x128xf32>
    %reshape3A_250 = vector.shape_cast %get3A_249 : vector<256x128xf32> to vector<4x64x128xf32>
    %get3A_251 = arith.constant 0 : index
    %get3A_252 = arith.constant 1792 : index
    %get3A_253 = vector.load %arg4[%get3A_251, %get3A_252] : memref<256x4096xf32, #tpu.memory_space<vmem>>, vector<256x128xf32>
    %reshape3A_254 = vector.shape_cast %get3A_253 : vector<256x128xf32> to vector<4x64x128xf32>
    %broadcast_in_dim3A_255 = vector.shape_cast %get3A_1 : vector<64x128xf32> to vector<1x64x128xf32>
    %sub3A_256 = vector.broadcast %broadcast_in_dim3A_255 : vector<1x64x128xf32> to vector<4x64x128xf32>
    %sub3A_257 = arith.subf %reshape3A_250, %sub3A_256 : vector<4x64x128xf32>
    %mul3A_258 = arith.mulf %sub3A_257, %sub3A_257 : vector<4x64x128xf32>
    %div3A_259 = arith.divf %mul3A_258, %reshape3A_254 : vector<4x64x128xf32>
    %reduce_sum3A_260 = arith.constant dense<0.000000e+00> : vector<4x128xf32>
    %reduce_sum3A_261 = vector.multi_reduction <add>, %div3A_259, %reduce_sum3A_260 [1] : vector<4x64x128xf32> to vector<4x128xf32>
    %swap3A_262 = arith.constant 56 : index
    %swap3A_263 = arith.constant 0 : index
    %swap3A_264 = vector.load %arg6[%swap3A_262, %swap3A_263] : memref<128x128xf32, #tpu.memory_space<vmem>>, vector<4x128xf32>
    tpu.vector_store %arg6[%swap3A_262, %swap3A_263], %reduce_sum3A_261 {strides = array<i32>} : memref<128x128xf32, #tpu.memory_space<vmem>>, vector<4x128xf32>,
    %get3A_265 = arith.constant 0 : index
    %get3A_266 = arith.constant 1920 : index
    %get3A_267 = vector.load %arg3[%get3A_265, %get3A_266] : memref<256x4096xf32, #tpu.memory_space<vmem>>, vector<256x128xf32>
    %reshape3A_268 = vector.shape_cast %get3A_267 : vector<256x128xf32> to vector<4x64x128xf32>
    %get3A_269 = arith.constant 0 : index
    %get3A_270 = arith.constant 1920 : index
    %get3A_271 = vector.load %arg4[%get3A_269, %get3A_270] : memref<256x4096xf32, #tpu.memory_space<vmem>>, vector<256x128xf32>
    %reshape3A_272 = vector.shape_cast %get3A_271 : vector<256x128xf32> to vector<4x64x128xf32>
    %broadcast_in_dim3A_273 = vector.shape_cast %get3A_1 : vector<64x128xf32> to vector<1x64x128xf32>
    %sub3A_274 = vector.broadcast %broadcast_in_dim3A_273 : vector<1x64x128xf32> to vector<4x64x128xf32>
    %sub3A_275 = arith.subf %reshape3A_268, %sub3A_274 : vector<4x64x128xf32>
    %mul3A_276 = arith.mulf %sub3A_275, %sub3A_275 : vector<4x64x128xf32>
    %div3A_277 = arith.divf %mul3A_276, %reshape3A_272 : vector<4x64x128xf32>
    %reduce_sum3A_278 = arith.constant dense<0.000000e+00> : vector<4x128xf32>
    %reduce_sum3A_279 = vector.multi_reduction <add>, %div3A_277, %reduce_sum3A_278 [1] : vector<4x64x128xf32> to vector<4x128xf32>
    %swap3A_280 = arith.constant 60 : index
    %swap3A_281 = arith.constant 0 : index
    %swap3A_282 = vector.load %arg6[%swap3A_280, %swap3A_281] : memref<128x128xf32, #tpu.memory_space<vmem>>, vector<4x128xf32>
    tpu.vector_store %arg6[%swap3A_280, %swap3A_281], %reduce_sum3A_279 {strides = array<i32>} : memref<128x128xf32, #tpu.memory_space<vmem>>, vector<4x128xf32>,
    %get3A_283 = arith.constant 0 : index
    %get3A_284 = arith.constant 2048 : index
    %get3A_285 = vector.load %arg3[%get3A_283, %get3A_284] : memref<256x4096xf32, #tpu.memory_space<vmem>>, vector<256x128xf32>
    %reshape3A_286 = vector.shape_cast %get3A_285 : vector<256x128xf32> to vector<4x64x128xf32>
    %get3A_287 = arith.constant 0 : index
    %get3A_288 = arith.constant 2048 : index
    %get3A_289 = vector.load %arg4[%get3A_287, %get3A_288] : memref<256x4096xf32, #tpu.memory_space<vmem>>, vector<256x128xf32>
    %reshape3A_290 = vector.shape_cast %get3A_289 : vector<256x128xf32> to vector<4x64x128xf32>
    %broadcast_in_dim3A_291 = vector.shape_cast %get3A_1 : vector<64x128xf32> to vector<1x64x128xf32>
    %sub3A_292 = vector.broadcast %broadcast_in_dim3A_291 : vector<1x64x128xf32> to vector<4x64x128xf32>
    %sub3A_293 = arith.subf %reshape3A_286, %sub3A_292 : vector<4x64x128xf32>
    %mul3A_294 = arith.mulf %sub3A_293, %sub3A_293 : vector<4x64x128xf32>
    %div3A_295 = arith.divf %mul3A_294, %reshape3A_290 : vector<4x64x128xf32>
    %reduce_sum3A_296 = arith.constant dense<0.000000e+00> : vector<4x128xf32>
    %reduce_sum3A_297 = vector.multi_reduction <add>, %div3A_295, %reduce_sum3A_296 [1] : vector<4x64x128xf32> to vector<4x128xf32>
    %swap3A_298 = arith.constant 64 : index
    %swap3A_299 = arith.constant 0 : index
    %swap3A_300 = vector.load %arg6[%swap3A_298, %swap3A_299] : memref<128x128xf32, #tpu.memory_space<vmem>>, vector<4x128xf32>
    tpu.vector_store %arg6[%swap3A_298, %swap3A_299], %reduce_sum3A_297 {strides = array<i32>} : memref<128x128xf32, #tpu.memory_space<vmem>>, vector<4x128xf32>,
    %get3A_301 = arith.constant 0 : index
    %get3A_302 = arith.constant 2176 : index
    %get3A_303 = vector.load %arg3[%get3A_301, %get3A_302] : memref<256x4096xf32, #tpu.memory_space<vmem>>, vector<256x128xf32>
    %reshape3A_304 = vector.shape_cast %get3A_303 : vector<256x128xf32> to vector<4x64x128xf32>
    %get3A_305 = arith.constant 0 : index
    %get3A_306 = arith.constant 2176 : index
    %get3A_307 = vector.load %arg4[%get3A_305, %get3A_306] : memref<256x4096xf32, #tpu.memory_space<vmem>>, vector<256x128xf32>
    %reshape3A_308 = vector.shape_cast %get3A_307 : vector<256x128xf32> to vector<4x64x128xf32>
    %broadcast_in_dim3A_309 = vector.shape_cast %get3A_1 : vector<64x128xf32> to vector<1x64x128xf32>
    %sub3A_310 = vector.broadcast %broadcast_in_dim3A_309 : vector<1x64x128xf32> to vector<4x64x128xf32>
    %sub3A_311 = arith.subf %reshape3A_304, %sub3A_310 : vector<4x64x128xf32>
    %mul3A_312 = arith.mulf %sub3A_311, %sub3A_311 : vector<4x64x128xf32>
    %div3A_313 = arith.divf %mul3A_312, %reshape3A_308 : vector<4x64x128xf32>
    %reduce_sum3A_314 = arith.constant dense<0.000000e+00> : vector<4x128xf32>
    %reduce_sum3A_315 = vector.multi_reduction <add>, %div3A_313, %reduce_sum3A_314 [1] : vector<4x64x128xf32> to vector<4x128xf32>
    %swap3A_316 = arith.constant 68 : index
    %swap3A_317 = arith.constant 0 : index
    %swap3A_318 = vector.load %arg6[%swap3A_316, %swap3A_317] : memref<128x128xf32, #tpu.memory_space<vmem>>, vector<4x128xf32>
    tpu.vector_store %arg6[%swap3A_316, %swap3A_317], %reduce_sum3A_315 {strides = array<i32>} : memref<128x128xf32, #tpu.memory_space<vmem>>, vector<4x128xf32>,
    %get3A_319 = arith.constant 0 : index
    %get3A_320 = arith.constant 2304 : index
    %get3A_321 = vector.load %arg3[%get3A_319, %get3A_320] : memref<256x4096xf32, #tpu.memory_space<vmem>>, vector<256x128xf32>
    %reshape3A_322 = vector.shape_cast %get3A_321 : vector<256x128xf32> to vector<4x64x128xf32>
    %get3A_323 = arith.constant 0 : index
    %get3A_324 = arith.constant 2304 : index
    %get3A_325 = vector.load %arg4[%get3A_323, %get3A_324] : memref<256x4096xf32, #tpu.memory_space<vmem>>, vector<256x128xf32>
    %reshape3A_326 = vector.shape_cast %get3A_325 : vector<256x128xf32> to vector<4x64x128xf32>
    %broadcast_in_dim3A_327 = vector.shape_cast %get3A_1 : vector<64x128xf32> to vector<1x64x128xf32>
    %sub3A_328 = vector.broadcast %broadcast_in_dim3A_327 : vector<1x64x128xf32> to vector<4x64x128xf32>
    %sub3A_329 = arith.subf %reshape3A_322, %sub3A_328 : vector<4x64x128xf32>
    %mul3A_330 = arith.mulf %sub3A_329, %sub3A_329 : vector<4x64x128xf32>
    %div3A_331 = arith.divf %mul3A_330, %reshape3A_326 : vector<4x64x128xf32>
    %reduce_sum3A_332 = arith.constant dense<0.000000e+00> : vector<4x128xf32>
    %reduce_sum3A_333 = vector.multi_reduction <add>, %div3A_331, %reduce_sum3A_332 [1] : vector<4x64x128xf32> to vector<4x128xf32>
    %swap3A_334 = arith.constant 72 : index
    %swap3A_335 = arith.constant 0 : index
    %swap3A_336 = vector.load %arg6[%swap3A_334, %swap3A_335] : memref<128x128xf32, #tpu.memory_space<vmem>>, vector<4x128xf32>
    tpu.vector_store %arg6[%swap3A_334, %swap3A_335], %reduce_sum3A_333 {strides = array<i32>} : memref<128x128xf32, #tpu.memory_space<vmem>>, vector<4x128xf32>,
    %get3A_337 = arith.constant 0 : index
    %get3A_338 = arith.constant 2432 : index
    %get3A_339 = vector.load %arg3[%get3A_337, %get3A_338] : memref<256x4096xf32, #tpu.memory_space<vmem>>, vector<256x128xf32>
    %reshape3A_340 = vector.shape_cast %get3A_339 : vector<256x128xf32> to vector<4x64x128xf32>
    %get3A_341 = arith.constant 0 : index
    %get3A_342 = arith.constant 2432 : index
    %get3A_343 = vector.load %arg4[%get3A_341, %get3A_342] : memref<256x4096xf32, #tpu.memory_space<vmem>>, vector<256x128xf32>
    %reshape3A_344 = vector.shape_cast %get3A_343 : vector<256x128xf32> to vector<4x64x128xf32>
    %broadcast_in_dim3A_345 = vector.shape_cast %get3A_1 : vector<64x128xf32> to vector<1x64x128xf32>
    %sub3A_346 = vector.broadcast %broadcast_in_dim3A_345 : vector<1x64x128xf32> to vector<4x64x128xf32>
    %sub3A_347 = arith.subf %reshape3A_340, %sub3A_346 : vector<4x64x128xf32>
    %mul3A_348 = arith.mulf %sub3A_347, %sub3A_347 : vector<4x64x128xf32>
    %div3A_349 = arith.divf %mul3A_348, %reshape3A_344 : vector<4x64x128xf32>
    %reduce_sum3A_350 = arith.constant dense<0.000000e+00> : vector<4x128xf32>
    %reduce_sum3A_351 = vector.multi_reduction <add>, %div3A_349, %reduce_sum3A_350 [1] : vector<4x64x128xf32> to vector<4x128xf32>
    %swap3A_352 = arith.constant 76 : index
    %swap3A_353 = arith.constant 0 : index
    %swap3A_354 = vector.load %arg6[%swap3A_352, %swap3A_353] : memref<128x128xf32, #tpu.memory_space<vmem>>, vector<4x128xf32>
    tpu.vector_store %arg6[%swap3A_352, %swap3A_353], %reduce_sum3A_351 {strides = array<i32>} : memref<128x128xf32, #tpu.memory_space<vmem>>, vector<4x128xf32>,
    %get3A_355 = arith.constant 0 : index
    %get3A_356 = arith.constant 2560 : index
    %get3A_357 = vector.load %arg3[%get3A_355, %get3A_356] : memref<256x4096xf32, #tpu.memory_space<vmem>>, vector<256x128xf32>
    %reshape3A_358 = vector.shape_cast %get3A_357 : vector<256x128xf32> to vector<4x64x128xf32>
    %get3A_359 = arith.constant 0 : index
    %get3A_360 = arith.constant 2560 : index
    %get3A_361 = vector.load %arg4[%get3A_359, %get3A_360] : memref<256x4096xf32, #tpu.memory_space<vmem>>, vector<256x128xf32>
    %reshape3A_362 = vector.shape_cast %get3A_361 : vector<256x128xf32> to vector<4x64x128xf32>
    %broadcast_in_dim3A_363 = vector.shape_cast %get3A_1 : vector<64x128xf32> to vector<1x64x128xf32>
    %sub3A_364 = vector.broadcast %broadcast_in_dim3A_363 : vector<1x64x128xf32> to vector<4x64x128xf32>
    %sub3A_365 = arith.subf %reshape3A_358, %sub3A_364 : vector<4x64x128xf32>
    %mul3A_366 = arith.mulf %sub3A_365, %sub3A_365 : vector<4x64x128xf32>
    %div3A_367 = arith.divf %mul3A_366, %reshape3A_362 : vector<4x64x128xf32>
    %reduce_sum3A_368 = arith.constant dense<0.000000e+00> : vector<4x128xf32>
    %reduce_sum3A_369 = vector.multi_reduction <add>, %div3A_367, %reduce_sum3A_368 [1] : vector<4x64x128xf32> to vector<4x128xf32>
    %swap3A_370 = arith.constant 80 : index
    %swap3A_371 = arith.constant 0 : index
    %swap3A_372 = vector.load %arg6[%swap3A_370, %swap3A_371] : memref<128x128xf32, #tpu.memory_space<vmem>>, vector<4x128xf32>
    tpu.vector_store %arg6[%swap3A_370, %swap3A_371], %reduce_sum3A_369 {strides = array<i32>} : memref<128x128xf32, #tpu.memory_space<vmem>>, vector<4x128xf32>,
    %get3A_373 = arith.constant 0 : index
    %get3A_374 = arith.constant 2688 : index
    %get3A_375 = vector.load %arg3[%get3A_373, %get3A_374] : memref<256x4096xf32, #tpu.memory_space<vmem>>, vector<256x128xf32>
    %reshape3A_376 = vector.shape_cast %get3A_375 : vector<256x128xf32> to vector<4x64x128xf32>
    %get3A_377 = arith.constant 0 : index
    %get3A_378 = arith.constant 2688 : index
    %get3A_379 = vector.load %arg4[%get3A_377, %get3A_378] : memref<256x4096xf32, #tpu.memory_space<vmem>>, vector<256x128xf32>
    %reshape3A_380 = vector.shape_cast %get3A_379 : vector<256x128xf32> to vector<4x64x128xf32>
    %broadcast_in_dim3A_381 = vector.shape_cast %get3A_1 : vector<64x128xf32> to vector<1x64x128xf32>
    %sub3A_382 = vector.broadcast %broadcast_in_dim3A_381 : vector<1x64x128xf32> to vector<4x64x128xf32>
    %sub3A_383 = arith.subf %reshape3A_376, %sub3A_382 : vector<4x64x128xf32>
    %mul3A_384 = arith.mulf %sub3A_383, %sub3A_383 : vector<4x64x128xf32>
    %div3A_385 = arith.divf %mul3A_384, %reshape3A_380 : vector<4x64x128xf32>
    %reduce_sum3A_386 = arith.constant dense<0.000000e+00> : vector<4x128xf32>
    %reduce_sum3A_387 = vector.multi_reduction <add>, %div3A_385, %reduce_sum3A_386 [1] : vector<4x64x128xf32> to vector<4x128xf32>
    %swap3A_388 = arith.constant 84 : index
    %swap3A_389 = arith.constant 0 : index
    %swap3A_390 = vector.load %arg6[%swap3A_388, %swap3A_389] : memref<128x128xf32, #tpu.memory_space<vmem>>, vector<4x128xf32>
    tpu.vector_store %arg6[%swap3A_388, %swap3A_389], %reduce_sum3A_387 {strides = array<i32>} : memref<128x128xf32, #tpu.memory_space<vmem>>, vector<4x128xf32>,
    %get3A_391 = arith.constant 0 : index
    %get3A_392 = arith.constant 2816 : index
    %get3A_393 = vector.load %arg3[%get3A_391, %get3A_392] : memref<256x4096xf32, #tpu.memory_space<vmem>>, vector<256x128xf32>
    %reshape3A_394 = vector.shape_cast %get3A_393 : vector<256x128xf32> to vector<4x64x128xf32>
    %get3A_395 = arith.constant 0 : index
    %get3A_396 = arith.constant 2816 : index
    %get3A_397 = vector.load %arg4[%get3A_395, %get3A_396] : memref<256x4096xf32, #tpu.memory_space<vmem>>, vector<256x128xf32>
    %reshape3A_398 = vector.shape_cast %get3A_397 : vector<256x128xf32> to vector<4x64x128xf32>
    %broadcast_in_dim3A_399 = vector.shape_cast %get3A_1 : vector<64x128xf32> to vector<1x64x128xf32>
    %sub3A_400 = vector.broadcast %broadcast_in_dim3A_399 : vector<1x64x128xf32> to vector<4x64x128xf32>
    %sub3A_401 = arith.subf %reshape3A_394, %sub3A_400 : vector<4x64x128xf32>
    %mul3A_402 = arith.mulf %sub3A_401, %sub3A_401 : vector<4x64x128xf32>
    %div3A_403 = arith.divf %mul3A_402, %reshape3A_398 : vector<4x64x128xf32>
    %reduce_sum3A_404 = arith.constant dense<0.000000e+00> : vector<4x128xf32>
    %reduce_sum3A_405 = vector.multi_reduction <add>, %div3A_403, %reduce_sum3A_404 [1] : vector<4x64x128xf32> to vector<4x128xf32>
    %swap3A_406 = arith.constant 88 : index
    %swap3A_407 = arith.constant 0 : index
    %swap3A_408 = vector.load %arg6[%swap3A_406, %swap3A_407] : memref<128x128xf32, #tpu.memory_space<vmem>>, vector<4x128xf32>
    tpu.vector_store %arg6[%swap3A_406, %swap3A_407], %reduce_sum3A_405 {strides = array<i32>} : memref<128x128xf32, #tpu.memory_space<vmem>>, vector<4x128xf32>,
    %get3A_409 = arith.constant 0 : index
    %get3A_410 = arith.constant 2944 : index
    %get3A_411 = vector.load %arg3[%get3A_409, %get3A_410] : memref<256x4096xf32, #tpu.memory_space<vmem>>, vector<256x128xf32>
    %reshape3A_412 = vector.shape_cast %get3A_411 : vector<256x128xf32> to vector<4x64x128xf32>
    %get3A_413 = arith.constant 0 : index
    %get3A_414 = arith.constant 2944 : index
    %get3A_415 = vector.load %arg4[%get3A_413, %get3A_414] : memref<256x4096xf32, #tpu.memory_space<vmem>>, vector<256x128xf32>
    %reshape3A_416 = vector.shape_cast %get3A_415 : vector<256x128xf32> to vector<4x64x128xf32>
    %broadcast_in_dim3A_417 = vector.shape_cast %get3A_1 : vector<64x128xf32> to vector<1x64x128xf32>
    %sub3A_418 = vector.broadcast %broadcast_in_dim3A_417 : vector<1x64x128xf32> to vector<4x64x128xf32>
    %sub3A_419 = arith.subf %reshape3A_412, %sub3A_418 : vector<4x64x128xf32>
    %mul3A_420 = arith.mulf %sub3A_419, %sub3A_419 : vector<4x64x128xf32>
    %div3A_421 = arith.divf %mul3A_420, %reshape3A_416 : vector<4x64x128xf32>
    %reduce_sum3A_422 = arith.constant dense<0.000000e+00> : vector<4x128xf32>
    %reduce_sum3A_423 = vector.multi_reduction <add>, %div3A_421, %reduce_sum3A_422 [1] : vector<4x64x128xf32> to vector<4x128xf32>
    %swap3A_424 = arith.constant 92 : index
    %swap3A_425 = arith.constant 0 : index
    %swap3A_426 = vector.load %arg6[%swap3A_424, %swap3A_425] : memref<128x128xf32, #tpu.memory_space<vmem>>, vector<4x128xf32>
    tpu.vector_store %arg6[%swap3A_424, %swap3A_425], %reduce_sum3A_423 {strides = array<i32>} : memref<128x128xf32, #tpu.memory_space<vmem>>, vector<4x128xf32>,
    %get3A_427 = arith.constant 0 : index
    %get3A_428 = arith.constant 3072 : index
    %get3A_429 = vector.load %arg3[%get3A_427, %get3A_428] : memref<256x4096xf32, #tpu.memory_space<vmem>>, vector<256x128xf32>
    %reshape3A_430 = vector.shape_cast %get3A_429 : vector<256x128xf32> to vector<4x64x128xf32>
    %get3A_431 = arith.constant 0 : index
    %get3A_432 = arith.constant 3072 : index
    %get3A_433 = vector.load %arg4[%get3A_431, %get3A_432] : memref<256x4096xf32, #tpu.memory_space<vmem>>, vector<256x128xf32>
    %reshape3A_434 = vector.shape_cast %get3A_433 : vector<256x128xf32> to vector<4x64x128xf32>
    %broadcast_in_dim3A_435 = vector.shape_cast %get3A_1 : vector<64x128xf32> to vector<1x64x128xf32>
    %sub3A_436 = vector.broadcast %broadcast_in_dim3A_435 : vector<1x64x128xf32> to vector<4x64x128xf32>
    %sub3A_437 = arith.subf %reshape3A_430, %sub3A_436 : vector<4x64x128xf32>
    %mul3A_438 = arith.mulf %sub3A_437, %sub3A_437 : vector<4x64x128xf32>
    %div3A_439 = arith.divf %mul3A_438, %reshape3A_434 : vector<4x64x128xf32>
    %reduce_sum3A_440 = arith.constant dense<0.000000e+00> : vector<4x128xf32>
    %reduce_sum3A_441 = vector.multi_reduction <add>, %div3A_439, %reduce_sum3A_440 [1] : vector<4x64x128xf32> to vector<4x128xf32>
    %swap3A_442 = arith.constant 96 : index
    %swap3A_443 = arith.constant 0 : index
    %swap3A_444 = vector.load %arg6[%swap3A_442, %swap3A_443] : memref<128x128xf32, #tpu.memory_space<vmem>>, vector<4x128xf32>
    tpu.vector_store %arg6[%swap3A_442, %swap3A_443], %reduce_sum3A_441 {strides = array<i32>} : memref<128x128xf32, #tpu.memory_space<vmem>>, vector<4x128xf32>,
    %get3A_445 = arith.constant 0 : index
    %get3A_446 = arith.constant 3200 : index
    %get3A_447 = vector.load %arg3[%get3A_445, %get3A_446] : memref<256x4096xf32, #tpu.memory_space<vmem>>, vector<256x128xf32>
    %reshape3A_448 = vector.shape_cast %get3A_447 : vector<256x128xf32> to vector<4x64x128xf32>
    %get3A_449 = arith.constant 0 : index
    %get3A_450 = arith.constant 3200 : index
    %get3A_451 = vector.load %arg4[%get3A_449, %get3A_450] : memref<256x4096xf32, #tpu.memory_space<vmem>>, vector<256x128xf32>
    %reshape3A_452 = vector.shape_cast %get3A_451 : vector<256x128xf32> to vector<4x64x128xf32>
    %broadcast_in_dim3A_453 = vector.shape_cast %get3A_1 : vector<64x128xf32> to vector<1x64x128xf32>
    %sub3A_454 = vector.broadcast %broadcast_in_dim3A_453 : vector<1x64x128xf32> to vector<4x64x128xf32>
    %sub3A_455 = arith.subf %reshape3A_448, %sub3A_454 : vector<4x64x128xf32>
    %mul3A_456 = arith.mulf %sub3A_455, %sub3A_455 : vector<4x64x128xf32>
    %div3A_457 = arith.divf %mul3A_456, %reshape3A_452 : vector<4x64x128xf32>
    %reduce_sum3A_458 = arith.constant dense<0.000000e+00> : vector<4x128xf32>
    %reduce_sum3A_459 = vector.multi_reduction <add>, %div3A_457, %reduce_sum3A_458 [1] : vector<4x64x128xf32> to vector<4x128xf32>
    %swap3A_460 = arith.constant 100 : index
    %swap3A_461 = arith.constant 0 : index
    %swap3A_462 = vector.load %arg6[%swap3A_460, %swap3A_461] : memref<128x128xf32, #tpu.memory_space<vmem>>, vector<4x128xf32>
    tpu.vector_store %arg6[%swap3A_460, %swap3A_461], %reduce_sum3A_459 {strides = array<i32>} : memref<128x128xf32, #tpu.memory_space<vmem>>, vector<4x128xf32>,
    %get3A_463 = arith.constant 0 : index
    %get3A_464 = arith.constant 3328 : index
    %get3A_465 = vector.load %arg3[%get3A_463, %get3A_464] : memref<256x4096xf32, #tpu.memory_space<vmem>>, vector<256x128xf32>
    %reshape3A_466 = vector.shape_cast %get3A_465 : vector<256x128xf32> to vector<4x64x128xf32>
    %get3A_467 = arith.constant 0 : index
    %get3A_468 = arith.constant 3328 : index
    %get3A_469 = vector.load %arg4[%get3A_467, %get3A_468] : memref<256x4096xf32, #tpu.memory_space<vmem>>, vector<256x128xf32>
    %reshape3A_470 = vector.shape_cast %get3A_469 : vector<256x128xf32> to vector<4x64x128xf32>
    %broadcast_in_dim3A_471 = vector.shape_cast %get3A_1 : vector<64x128xf32> to vector<1x64x128xf32>
    %sub3A_472 = vector.broadcast %broadcast_in_dim3A_471 : vector<1x64x128xf32> to vector<4x64x128xf32>
    %sub3A_473 = arith.subf %reshape3A_466, %sub3A_472 : vector<4x64x128xf32>
    %mul3A_474 = arith.mulf %sub3A_473, %sub3A_473 : vector<4x64x128xf32>
    %div3A_475 = arith.divf %mul3A_474, %reshape3A_470 : vector<4x64x128xf32>
    %reduce_sum3A_476 = arith.constant dense<0.000000e+00> : vector<4x128xf32>
    %reduce_sum3A_477 = vector.multi_reduction <add>, %div3A_475, %reduce_sum3A_476 [1] : vector<4x64x128xf32> to vector<4x128xf32>
    %swap3A_478 = arith.constant 104 : index
    %swap3A_479 = arith.constant 0 : index
    %swap3A_480 = vector.load %arg6[%swap3A_478, %swap3A_479] : memref<128x128xf32, #tpu.memory_space<vmem>>, vector<4x128xf32>
    tpu.vector_store %arg6[%swap3A_478, %swap3A_479], %reduce_sum3A_477 {strides = array<i32>} : memref<128x128xf32, #tpu.memory_space<vmem>>, vector<4x128xf32>,
    %get3A_481 = arith.constant 0 : index
    %get3A_482 = arith.constant 3456 : index
    %get3A_483 = vector.load %arg3[%get3A_481, %get3A_482] : memref<256x4096xf32, #tpu.memory_space<vmem>>, vector<256x128xf32>
    %reshape3A_484 = vector.shape_cast %get3A_483 : vector<256x128xf32> to vector<4x64x128xf32>
    %get3A_485 = arith.constant 0 : index
    %get3A_486 = arith.constant 3456 : index
    %get3A_487 = vector.load %arg4[%get3A_485, %get3A_486] : memref<256x4096xf32, #tpu.memory_space<vmem>>, vector<256x128xf32>
    %reshape3A_488 = vector.shape_cast %get3A_487 : vector<256x128xf32> to vector<4x64x128xf32>
    %broadcast_in_dim3A_489 = vector.shape_cast %get3A_1 : vector<64x128xf32> to vector<1x64x128xf32>
    %sub3A_490 = vector.broadcast %broadcast_in_dim3A_489 : vector<1x64x128xf32> to vector<4x64x128xf32>
    %sub3A_491 = arith.subf %reshape3A_484, %sub3A_490 : vector<4x64x128xf32>
    %mul3A_492 = arith.mulf %sub3A_491, %sub3A_491 : vector<4x64x128xf32>
    %div3A_493 = arith.divf %mul3A_492, %reshape3A_488 : vector<4x64x128xf32>
    %reduce_sum3A_494 = arith.constant dense<0.000000e+00> : vector<4x128xf32>
    %reduce_sum3A_495 = vector.multi_reduction <add>, %div3A_493, %reduce_sum3A_494 [1] : vector<4x64x128xf32> to vector<4x128xf32>
    %swap3A_496 = arith.constant 108 : index
    %swap3A_497 = arith.constant 0 : index
    %swap3A_498 = vector.load %arg6[%swap3A_496, %swap3A_497] : memref<128x128xf32, #tpu.memory_space<vmem>>, vector<4x128xf32>
    tpu.vector_store %arg6[%swap3A_496, %swap3A_497], %reduce_sum3A_495 {strides = array<i32>} : memref<128x128xf32, #tpu.memory_space<vmem>>, vector<4x128xf32>,
    %get3A_499 = arith.constant 0 : index
    %get3A_500 = arith.constant 3584 : index
    %get3A_501 = vector.load %arg3[%get3A_499, %get3A_500] : memref<256x4096xf32, #tpu.memory_space<vmem>>, vector<256x128xf32>
    %reshape3A_502 = vector.shape_cast %get3A_501 : vector<256x128xf32> to vector<4x64x128xf32>
    %get3A_503 = arith.constant 0 : index
    %get3A_504 = arith.constant 3584 : index
    %get3A_505 = vector.load %arg4[%get3A_503, %get3A_504] : memref<256x4096xf32, #tpu.memory_space<vmem>>, vector<256x128xf32>
    %reshape3A_506 = vector.shape_cast %get3A_505 : vector<256x128xf32> to vector<4x64x128xf32>
    %broadcast_in_dim3A_507 = vector.shape_cast %get3A_1 : vector<64x128xf32> to vector<1x64x128xf32>
    %sub3A_508 = vector.broadcast %broadcast_in_dim3A_507 : vector<1x64x128xf32> to vector<4x64x128xf32>
    %sub3A_509 = arith.subf %reshape3A_502, %sub3A_508 : vector<4x64x128xf32>
    %mul3A_510 = arith.mulf %sub3A_509, %sub3A_509 : vector<4x64x128xf32>
    %div3A_511 = arith.divf %mul3A_510, %reshape3A_506 : vector<4x64x128xf32>
    %reduce_sum3A_512 = arith.constant dense<0.000000e+00> : vector<4x128xf32>
    %reduce_sum3A_513 = vector.multi_reduction <add>, %div3A_511, %reduce_sum3A_512 [1] : vector<4x64x128xf32> to vector<4x128xf32>
    %swap3A_514 = arith.constant 112 : index
    %swap3A_515 = arith.constant 0 : index
    %swap3A_516 = vector.load %arg6[%swap3A_514, %swap3A_515] : memref<128x128xf32, #tpu.memory_space<vmem>>, vector<4x128xf32>
    tpu.vector_store %arg6[%swap3A_514, %swap3A_515], %reduce_sum3A_513 {strides = array<i32>} : memref<128x128xf32, #tpu.memory_space<vmem>>, vector<4x128xf32>,
    %get3A_517 = arith.constant 0 : index
    %get3A_518 = arith.constant 3712 : index
    %get3A_519 = vector.load %arg3[%get3A_517, %get3A_518] : memref<256x4096xf32, #tpu.memory_space<vmem>>, vector<256x128xf32>
    %reshape3A_520 = vector.shape_cast %get3A_519 : vector<256x128xf32> to vector<4x64x128xf32>
    %get3A_521 = arith.constant 0 : index
    %get3A_522 = arith.constant 3712 : index
    %get3A_523 = vector.load %arg4[%get3A_521, %get3A_522] : memref<256x4096xf32, #tpu.memory_space<vmem>>, vector<256x128xf32>
    %reshape3A_524 = vector.shape_cast %get3A_523 : vector<256x128xf32> to vector<4x64x128xf32>
    %broadcast_in_dim3A_525 = vector.shape_cast %get3A_1 : vector<64x128xf32> to vector<1x64x128xf32>
    %sub3A_526 = vector.broadcast %broadcast_in_dim3A_525 : vector<1x64x128xf32> to vector<4x64x128xf32>
    %sub3A_527 = arith.subf %reshape3A_520, %sub3A_526 : vector<4x64x128xf32>
    %mul3A_528 = arith.mulf %sub3A_527, %sub3A_527 : vector<4x64x128xf32>
    %div3A_529 = arith.divf %mul3A_528, %reshape3A_524 : vector<4x64x128xf32>
    %reduce_sum3A_530 = arith.constant dense<0.000000e+00> : vector<4x128xf32>
    %reduce_sum3A_531 = vector.multi_reduction <add>, %div3A_529, %reduce_sum3A_530 [1] : vector<4x64x128xf32> to vector<4x128xf32>
    %swap3A_532 = arith.constant 116 : index
    %swap3A_533 = arith.constant 0 : index
    %swap3A_534 = vector.load %arg6[%swap3A_532, %swap3A_533] : memref<128x128xf32, #tpu.memory_space<vmem>>, vector<4x128xf32>
    tpu.vector_store %arg6[%swap3A_532, %swap3A_533], %reduce_sum3A_531 {strides = array<i32>} : memref<128x128xf32, #tpu.memory_space<vmem>>, vector<4x128xf32>,
    %get3A_535 = arith.constant 0 : index
    %get3A_536 = arith.constant 3840 : index
    %get3A_537 = vector.load %arg3[%get3A_535, %get3A_536] : memref<256x4096xf32, #tpu.memory_space<vmem>>, vector<256x128xf32>
    %reshape3A_538 = vector.shape_cast %get3A_537 : vector<256x128xf32> to vector<4x64x128xf32>
    %get3A_539 = arith.constant 0 : index
    %get3A_540 = arith.constant 3840 : index
    %get3A_541 = vector.load %arg4[%get3A_539, %get3A_540] : memref<256x4096xf32, #tpu.memory_space<vmem>>, vector<256x128xf32>
    %reshape3A_542 = vector.shape_cast %get3A_541 : vector<256x128xf32> to vector<4x64x128xf32>
    %broadcast_in_dim3A_543 = vector.shape_cast %get3A_1 : vector<64x128xf32> to vector<1x64x128xf32>
    %sub3A_544 = vector.broadcast %broadcast_in_dim3A_543 : vector<1x64x128xf32> to vector<4x64x128xf32>
    %sub3A_545 = arith.subf %reshape3A_538, %sub3A_544 : vector<4x64x128xf32>
    %mul3A_546 = arith.mulf %sub3A_545, %sub3A_545 : vector<4x64x128xf32>
    %div3A_547 = arith.divf %mul3A_546, %reshape3A_542 : vector<4x64x128xf32>
    %reduce_sum3A_548 = arith.constant dense<0.000000e+00> : vector<4x128xf32>
    %reduce_sum3A_549 = vector.multi_reduction <add>, %div3A_547, %reduce_sum3A_548 [1] : vector<4x64x128xf32> to vector<4x128xf32>
    %swap3A_550 = arith.constant 120 : index
    %swap3A_551 = arith.constant 0 : index
    %swap3A_552 = vector.load %arg6[%swap3A_550, %swap3A_551] : memref<128x128xf32, #tpu.memory_space<vmem>>, vector<4x128xf32>
    tpu.vector_store %arg6[%swap3A_550, %swap3A_551], %reduce_sum3A_549 {strides = array<i32>} : memref<128x128xf32, #tpu.memory_space<vmem>>, vector<4x128xf32>,
    %get3A_553 = arith.constant 0 : index
    %get3A_554 = arith.constant 3968 : index
    %get3A_555 = vector.load %arg3[%get3A_553, %get3A_554] : memref<256x4096xf32, #tpu.memory_space<vmem>>, vector<256x128xf32>
    %reshape3A_556 = vector.shape_cast %get3A_555 : vector<256x128xf32> to vector<4x64x128xf32>
    %get3A_557 = arith.constant 0 : index
    %get3A_558 = arith.constant 3968 : index
    %get3A_559 = vector.load %arg4[%get3A_557, %get3A_558] : memref<256x4096xf32, #tpu.memory_space<vmem>>, vector<256x128xf32>
    %reshape3A_560 = vector.shape_cast %get3A_559 : vector<256x128xf32> to vector<4x64x128xf32>
    %broadcast_in_dim3A_561 = vector.shape_cast %get3A_1 : vector<64x128xf32> to vector<1x64x128xf32>
    %sub3A_562 = vector.broadcast %broadcast_in_dim3A_561 : vector<1x64x128xf32> to vector<4x64x128xf32>
    %sub3A_563 = arith.subf %reshape3A_556, %sub3A_562 : vector<4x64x128xf32>
    %mul3A_564 = arith.mulf %sub3A_563, %sub3A_563 : vector<4x64x128xf32>
    %div3A_565 = arith.divf %mul3A_564, %reshape3A_560 : vector<4x64x128xf32>
    %reduce_sum3A_566 = arith.constant dense<0.000000e+00> : vector<4x128xf32>
    %reduce_sum3A_567 = vector.multi_reduction <add>, %div3A_565, %reduce_sum3A_566 [1] : vector<4x64x128xf32> to vector<4x128xf32>
    %swap3A_568 = arith.constant 124 : index
    %swap3A_569 = arith.constant 0 : index
    %swap3A_570 = vector.load %arg6[%swap3A_568, %swap3A_569] : memref<128x128xf32, #tpu.memory_space<vmem>>, vector<4x128xf32>
    tpu.vector_store %arg6[%swap3A_568, %swap3A_569], %reduce_sum3A_567 {strides = array<i32>} : memref<128x128xf32, #tpu.memory_space<vmem>>, vector<4x128xf32>,
    %get3A_571 = arith.constant 0 : index
    %get3A_572 = arith.constant 0 : index
    %get3A_573 = vector.load %arg6[%get3A_571, %get3A_572] : memref<128x128xf32, #tpu.memory_space<vmem>>, vector<128x128xf32>
    %get3A_574 = arith.constant 0 : index
    %get3A_575 = arith.constant 0 : index
    %get3A_576 = vector.load %arg2[%get3A_574, %get3A_575] : memref<128x2xf32, #tpu.memory_space<vmem>>, vector<128x2xf32>
    %dot_general3A = arith.constant dense<0.000000e+00> : vector<128x2xf32>
    %dot_general3A_577 = tpu.matmul %get3A_573, %get3A_576, %dot_general3A {dimension_numbers = #tpu.dot_dimension_numbers<[1], [0], [0], [1], [0, 0, 1, 1], [], []>, transpose_lhs_hint = false} : vector<128x128xf32>, vector<128x2xf32>, vector<128x2xf32> -> vector<128x2xf32>
    %reduce_min3A = vector.shape_cast %dot_general3A_577 : vector<128x2xf32> to vector<1x128x2xf32>
    %reduce_min3A_578 = arith.constant dense<0x7F800000> : vector<1xf32>
    %reduce_min3A_579 = vector.multi_reduction <minimumf>, %reduce_min3A, %reduce_min3A_578 [1, 2] : vector<1x128x2xf32> to vector<1xf32>
    %reduce_min3A_580 = vector.shape_cast %reduce_min3A_579 : vector<1xf32> to vector<1x1x1xf32>
    %reduce_min3A_581 = vector.extract %reduce_min3A_580[0, 0, 0] : f32 from vector<1x1x1xf32>
    %eq3A = arith.constant 0 : i32
    %eq3A_582 = arith.cmpi eq, %arg0, %eq3A : i32
    %convert_element_type3A = arith.extui %eq3A_582 : i1 to i32
    %cond3A = arith.constant 0 : i32
    %cond3A_583 = arith.cmpi ne, %convert_element_type3A, %cond3A : i32
    scf.if %cond3A_583 {
      %swap3A_588 = arith.constant 0 : index
      %swap3A_589 = arith.constant 0 : index
      %swap3A_590 = memref.load %arg5[%swap3A_588, %swap3A_589] : memref<1x1xf32, #tpu.memory_space<smem>>
      memref.store %reduce_min3A_581, %arg5[%swap3A_588, %swap3A_589] : memref<1x1xf32, #tpu.memory_space<smem>>
    } else {
    }
    %gt3A = arith.constant 0 : i32
    %gt3A_584 = arith.cmpi sgt, %arg0, %gt3A : i32
    %convert_element_type3A_585 = arith.extui %gt3A_584 : i1 to i32
    %cond3A_586 = arith.constant 0 : i32
    %cond3A_587 = arith.cmpi ne, %convert_element_type3A_585, %cond3A_586 : i32
    scf.if %cond3A_587 {
      %get3A_588 = arith.constant 0 : index
      %get3A_589 = arith.constant 0 : index
      %get3A_590 = memref.load %arg5[%get3A_588, %get3A_589] : memref<1x1xf32, #tpu.memory_space<smem>>
      %min3A = arith.minimumf %get3A_590, %reduce_min3A_581 : f32
      %swap3A_591 = arith.constant 0 : index
      %swap3A_592 = arith.constant 0 : index
      %swap3A_593 = memref.load %arg5[%swap3A_591, %swap3A_592] : memref<1x1xf32, #tpu.memory_space<smem>>
      memref.store %min3A, %arg5[%swap3A_591, %swap3A_592] : memref<1x1xf32, #tpu.memory_space<smem>>
    } else {
    }
    return
  }
  func.func @transform_0(%arg0: i32) -> (i32, i32) {
    %c0_i32 = arith.constant 0 : i32
    %c0_i32_0 = arith.constant 0 : i32
    %c0_i32_1 = arith.constant 0 : i32
    return %c0_i32, %c0_i32_0 : i32, i32
  }
  func.func @transform_1(%arg0: i32) -> (i32, i32) {
    %c0_i32 = arith.constant 0 : i32
    %c0_i32_0 = arith.constant 0 : i32
    %c0_i32_1 = arith.constant 0 : i32
    return %c0_i32, %c0_i32_0 : i32, i32
  }
  func.func @transform_2(%arg0: i32) -> (i32, i32) {
    %c0_i32 = arith.constant 0 : i32
    %c0_i32_0 = arith.constant 0 : i32
    return %arg0, %c0_i32 : i32, i32
  }
  func.func @transform_3(%arg0: i32) -> (i32, i32) {
    %c0_i32 = arith.constant 0 : i32
    %c0_i32_0 = arith.constant 0 : i32
    return %arg0, %c0_i32 : i32, i32
  }
  func.func @transform_4(%arg0: i32) -> (i32, i32) {
    %c0_i32 = arith.constant 0 : i32
    %c0_i32_0 = arith.constant 0 : i32
    %c0_i32_1 = arith.constant 0 : i32
    return %c0_i32, %c0_i32_0 : i32, i32
  }
}

module attributes {stable_mosaic.version = 14 : i64} {
  func.func @_epi_body(%arg0: memref<1x1xf32, #tpu.memory_space<smem>>, %arg1: memref<4096x64xf32, #tpu.memory_space<vmem>>, %arg2: memref<128x4096xf32, #tpu.memory_space<vmem>>, %arg3: memref<1x1xf32, #tpu.memory_space<smem>>) attributes {dimension_semantics = [], scalar_prefetch = 0 : i64, scratch_operands = 0 : i64, tpu.core_type = #tpu.core_type<tc>} {
    %get3A = arith.constant 0 : index
    %get3A_0 = arith.constant 0 : index
    %get3A_1 = vector.load %arg2[%get3A, %get3A_0] : memref<128x4096xf32, #tpu.memory_space<vmem>>, vector<128x4096xf32>
    %reshape3A = vector.shape_cast %get3A_1 : vector<128x4096xf32> to vector<8x16x4096xf32>
    %reduce_sum3A = arith.constant dense<0.000000e+00> : vector<8x4096xf32>
    %reduce_sum3A_2 = vector.multi_reduction <add>, %reshape3A, %reduce_sum3A [1] : vector<8x16x4096xf32> to vector<8x4096xf32>
    %get3A_3 = arith.constant 0 : index
    %get3A_4 = arith.constant 0 : index
    %get3A_5 = vector.load %arg1[%get3A_3, %get3A_4] : memref<4096x64xf32, #tpu.memory_space<vmem>>, vector<4096x64xf32>
    %dot_general3A = arith.constant dense<0.000000e+00> : vector<8x64xf32>
    %dot_general3A_6 = tpu.matmul %reduce_sum3A_2, %get3A_5, %dot_general3A {dimension_numbers = #tpu.dot_dimension_numbers<[1], [0], [0], [1], [0, 0, 1, 1], [], []>, transpose_lhs_hint = false} : vector<8x4096xf32>, vector<4096x64xf32>, vector<8x64xf32> -> vector<8x64xf32>
    %get3A_7 = arith.constant 0 : index
    %get3A_8 = arith.constant 0 : index
    %get3A_9 = memref.load %arg0[%get3A_7, %get3A_8] : memref<1x1xf32, #tpu.memory_space<smem>>
    %reduce_min3A = vector.shape_cast %dot_general3A_6 : vector<8x64xf32> to vector<1x8x64xf32>
    %reduce_min3A_10 = arith.constant dense<0x7F800000> : vector<1xf32>
    %reduce_min3A_11 = vector.multi_reduction <minimumf>, %reduce_min3A, %reduce_min3A_10 [1, 2] : vector<1x8x64xf32> to vector<1xf32>
    %reduce_min3A_12 = vector.shape_cast %reduce_min3A_11 : vector<1xf32> to vector<1x1x1xf32>
    %reduce_min3A_13 = vector.extract %reduce_min3A_12[0, 0, 0] : f32 from vector<1x1x1xf32>
    %min3A = arith.minimumf %get3A_9, %reduce_min3A_13 : f32
    %swap3A = arith.constant 0 : index
    %swap3A_14 = arith.constant 0 : index
    %swap3A_15 = memref.load %arg3[%swap3A, %swap3A_14] : memref<1x1xf32, #tpu.memory_space<smem>>
    memref.store %min3A, %arg3[%swap3A, %swap3A_14] : memref<1x1xf32, #tpu.memory_space<smem>>
    return
  }
}

</mosaic_0001>

<sc_bundles>
// kernel: kernel.5.cloned.1.call-start
scs
__scs_entry_jumppad:
0x0: {  	(pc) =	sbr.rel $0x88, $3  }
0x1: {  	(tag) =	ssettag $0x0;
	lr =	simm.s32 $0x1  }
0x2: {  	[smem:$0x3F9E] =	sst lr;
	_ =	strace $0xD0000000  }
0x3: {  	_ = 	snop  }
0x4: {  	_ = 	snop  }
0x5: {  	_ = 	snop  }
0x6: {  	_ = 	snop  }
0x7: {  	_ = 	snop  }
__scs_overlays_trampoline_lowered:
0x8: {  	[smem:$0x3FAD] =	sst s0  }
0x9: {  	[smem:$0x3FAE] =	sst s1  }
0xa: {  	[smem:$0x3FAF] =	sst s2  }
0xb: {  	[smem:$0x3FB0] =	sst s3  }
0xc: {  	[smem:$0x3FB1] =	sst s4  }
0xd: {  	[smem:$0x3FB2] =	sst s5  }
0xe: {  	[smem:$0x3FB3] =	sst s6  }
0xf: {  	[smem:$0x3FB4] =	sst s7  }
0x10: {  	[smem:$0x3FB5] =	sst s8  }
0x11: {  	[smem:$0x3FB6] =	sst s9;
	s0 =	simm.s32 @!p0 $0x0  }
0x12: {  	s1 =	sld [smem:$0x3F9C];
	s0 =	simm.s32 @p0 $0x1  }
0x13: {  	[smem:$0x3FB7] =	sst s0;
	s0 =	simm.s32 @!p1 $0x0  }
0x14: {  	s2 =	sld [smem:$0x3F9B];
	s0 =	simm.s32 @p1 $0x1  }
0x15: {  	[smem:$0x3FB8] =	sst s0;
	s0 =	simm.s32 @!p2 $0x0  }
0x16: {  	s3 =	sld [smem:$0x3FDB];
	s0 =	simm.s32 @p2 $0x1  }
0x17: {  	s4 =	simm.s32 $0x1BF5;
	[smem:$0x3FBA] =	sst s0  }
0x18: {  	s0 =	sld [smem:$0x3F9D];
	_ =	swait.ge [sflag:s4], $0x0  }
0x19: {  	s7 =	sld [smem:$0x3F9E]  }
0x1a: {  	s8 =	sadd.s32 $0xFFFFE003, lr  }
0x1b: {  	s9 =	sadd.s32 $0xFFFFFEF7, lr;
	s5 =	simm.s32 $0xFFFFFFFF;
	p2 =	slt.u32 s8, $0xFFFFF086  }
0x1c: {  	p1 =	slt.u32 s9, $0xF7A;
	s5 =	simm.s32 @!p2 $0x0  }
0x1d: {  	s5 =	simm.s32 @p1 $0x1;
	p0 =	seq.s32 s7, s2  }
0x1e: {  	s7 =	smul.u32 @!p0 $0xF7A, s2;
	p2 =	seq.s32 @!p0 s5, $0x0  }
0x1f: {  	s9 =	smul.u32 $0xF7A, s1;
	s8 =	simm.s32 @!p0 $0x1BF5;
	p2 =	por !p2, p0  }
0x20: {  	[sflag:s8] =	ssyncset.s32 @!p0 $0xFFFFF086;
	s6 =	sadd.s32 @!p0 s3, s7;
	s7 =	simm.s32 @!p0 $0x108  }
0x21: {  	s3 =	sadd.s32 s3, s9;
	s6 =	sadd.s32 @!p0 $0x88, s6;
	s7 =	simm.s32 @p2 $0x1082  }
0x22: {  	[simem:s7], [sflag:s8] =	dma.local @!p0 [hbm:s6], $0xF7A  }
0x23: {  	s9 =	sor.u32 $0xD0000000, s2;
	s6 =	simm.s32 $0x108;
	_ =	swait.ge @!p0 [sflag:s8], $0x0  }
0x24: {  	s3 =	sadd.s32 $0x88, s3;
	s6 =	simm.s32 @!p1 $0x1082;
	[sflag:s4] =	ssyncset.s32 $0xFFFFF086  }
0x25: {  	[simem:s6], [sflag:s4] =	dma.local [hbm:s3], $0xF7A  }
0x26: {  	[smem:$0x3F9E] =	sst s1;
	(tag) =	ssettag s2;
	_ =	strace s9  }
0x27: {  	s1 =	sld [smem:$0x3FAE]  }
0x28: {  	s2 =	sld [smem:$0x3FAF]  }
0x29: {  	s4 =	sld [smem:$0x3FB1]  }
0x2a: {  	p0 =	seq.s32 s5, $0x0;
	s5 =	sld [smem:$0x3FB2]  }
0x2b: {  	s6 =	sld [smem:$0x3FB3]  }
0x2c: {  	s7 =	sld [smem:$0x3FB4]  }
0x2d: {  	s3 =	simm.s32 $0x108;
	s8 =	sld [smem:$0x3FB5]  }
0x2e: {  	s3 =	simm.s32 @!p0 $0x1082;
	s9 =	sld [smem:$0x3FB6]  }
0x2f: {  	lr =	sadd.s32 s0, s3;
	s0 =	sld [smem:$0x3FAD]  }
0x30: {  	s3 =	sld [smem:$0x3FB0]  }
0x31: {  	[smem:$0x3FB9] =	sst s10  }
0x32: {  	s10 =	sld [smem:$0x3FB7];
	_ =	sdelay $0x3  }
0x33: {  	p0 =	seq.s32 s10, $0x1;
	s10 =	sld [smem:$0x3FB9];
	_ =	sdelay $0x3  }
0x34: {  	[smem:$0x3FB9] =	sst s10  }
0x35: {  	s10 =	sld [smem:$0x3FB8];
	_ =	sdelay $0x3  }
0x36: {  	p1 =	seq.s32 s10, $0x1;
	s10 =	sld [smem:$0x3FB9];
	_ =	sdelay $0x3  }
0x37: {  	[smem:$0x3FB9] =	sst s10  }
0x38: {  	s10 =	sld [smem:$0x3FBA]  }
0x39: {  	_ = 	snop;
	(pc) =	sbr.ind lr, $3  }
0x3a: {  	_ = 	snop  }
0x3b: {  	_ = 	snop  }
0x3c: {  	p2 =	seq.s32 s10, $0x1;
	s10 =	sld [smem:$0x3FB9]  }
0x3d: {  	_ =	shalt  }
0x3e: {  	_ =	shalt  }
0x3f: {  	_ =	shalt  }
0x40: {  	_ =	shalt  }
0x41: {  	_ =	shalt  }
0x42: {  	_ =	shalt  }
0x43: {  	_ =	shalt  }
0x44: {  	_ =	shalt  }
0x45: {  	_ =	shalt  }
0x46: {  	_ =	shalt  }
0x47: {  	_ =	shalt  }
0x48: {  	_ =	shalt  }
0x49: {  	_ =	shalt  }
0x4a: {  	_ =	shalt  }
0x4b: {  	_ =	shalt  }
0x4c: {  	_ =	shalt  }
0x4d: {  	_ =	shalt  }
0x4e: {  	_ =	shalt  }
0x4f: {  	_ =	shalt  }
0x50: {  	_ =	shalt  }
0x51: {  	_ =	shalt  }
0x52: {  	_ =	shalt  }
0x53: {  	_ =	shalt  }
0x54: {  	_ =	shalt  }
0x55: {  	_ =	shalt  }
0x56: {  	_ =	shalt  }
0x57: {  	_ =	shalt  }
0x58: {  	_ =	shalt  }
0x59: {  	_ =	shalt  }
0x5a: {  	_ =	shalt  }
0x5b: {  	_ =	shalt  }
0x5c: {  	_ =	shalt  }
0x5d: {  	_ =	shalt  }
0x5e: {  	_ =	shalt  }
0x5f: {  	_ =	shalt  }
0x60: {  	_ =	shalt  }
0x61: {  	_ =	shalt  }
0x62: {  	_ =	shalt  }
0x63: {  	_ =	shalt  }
0x64: {  	_ =	shalt  }
0x65: {  	_ =	shalt  }
0x66: {  	_ =	shalt  }
0x67: {  	_ =	shalt  }
0x68: {  	_ =	shalt  }
0x69: {  	_ =	shalt  }
0x6a: {  	_ =	shalt  }
0x6b: {  	_ =	shalt  }
0x6c: {  	_ =	shalt  }
0x6d: {  	_ =	shalt  }
0x6e: {  	_ =	shalt  }
0x6f: {  	_ =	shalt  }
0x70: {  	_ =	shalt  }
0x71: {  	_ =	shalt  }
0x72: {  	_ =	shalt  }
0x73: {  	_ =	shalt  }
0x74: {  	_ =	shalt  }
0x75: {  	_ =	shalt  }
0x76: {  	_ =	shalt  }
0x77: {  	_ =	shalt  }
0x78: {  	_ =	shalt  }
0x79: {  	_ =	shalt  }
0x7a: {  	_ =	shalt  }
0x7b: {  	_ =	shalt  }
0x7c: {  	_ =	shalt  }
0x7d: {  	_ =	shalt  }
0x7e: {  	_ =	shalt  }
0x7f: {  	_ =	shalt  }
0x80: {  	_ =	shalt  }
0x81: {  	_ =	shalt  }
0x82: {  	_ =	shalt  }
0x83: {  	_ =	shalt  }
0x84: {  	_ =	shalt  }
0x85: {  	_ =	shalt  }
0x86: {  	_ =	shalt  }
0x87: {  	_ =	shalt  }
.Lfunc_end0:
.L_simem_size_0:
called_computation_lowered:
.L_overlay_start_0:
0x88: {  	s2 =	sld [smem:$0x3FD9]  }
0x89: {  	s3 =	sld [smem:$0x3FFE];
	_ =	sdelay $0x1  }
0x8a: {  	s1 =	srdreg.scid  }
0x8b: {  	s0 =	sand.u32 $0x1, s1  }
0x8c: {  	s17 =	sshll.u32 s0, $0xA;
	s2 =	sadd.s32 s3, s2  }
0x8d: {  	s2 =	sadd.s32 s2, s17  }
0x8e: {  	[smem:$0x3FC5] =	sst s2  }
0x8f: {  	_ = 	snop  }
0x90: {  	s2 =	sld [smem:$0x3FC9]  }
0x91: {  	s18 =	sld [smem:$0x3FC8]  }
0x92: {  	s4 =	sld [smem:$0x3FC7];
	(tm) =	ssettm $0x1  }
0x93: {  	s5 =	sld [smem:$0x3FFB];
	_ =	sdelay $0x3  }
0x94: {  	_ =	strace s5  }
0x95: {  	s5 =	sld [smem:$0x3FFC];
	_ =	sdelay $0x3  }
0x96: {  	_ =	strace s5  }
0x97: {  	s5 =	sld [smem:$0x3FFD];
	_ =	sdelay $0x3  }
0x98: {  	_ =	strace s5  }
0x99: {  	_ =	strace $0x8FFFFFFF  }
0x9a: {  	s19 =	sld [smem:$0x3FDB];
	_ =	sdelay $0x1  }
0x9b: {  	s6 =	simm.s32 $_scs_section_size  }
0x9c: {  	s7 =	simm.s32 $_size__tile_overlayer_lowered;
	s8 =	simm.s32 $_tile_overlayer_lowered  }
0x9d: {  	s22 =	simm.s32 $0x1BFF;
	s21 =	sshll.u32 s8, $0x1;
	s5 =	sadd.s32 s6, s19  }
0x9e: {  	s9 =	simm.s32 $0x0;
	s20 =	sshll.u32 s7, $0x1;
	s7 =	sadd.s32 s21, s5  }
0x9f: {  	[timem:s9], [sflag:s22] =	dma.local [hbm:s7], s20  }
0xa0: {  	_ =	swait.ge [sflag:s22], s20  }
0xa1: {  	s6 =	ssub.s32 $0x0, s20;
	[sflag:s22] =	ssyncset.done $0x0  }
0xa2: {  	[sflag:s22] =	ssyncadd.s32 s6;
	_ =	sdelay $0x1  }
0xa3: {  	s23 =	simm.s32 $0x1B8B  }
0xa4: {  	_ =	swait.ge [sflag:s23], $0x1  }
0xa5: {  	[sflag:s23] =	ssyncset.done $0x0  }
0xa6: {  	s25 =	simm.s32 $0x1B8E;
	s24 =	sld [smem:$0x3FFE];
	[sflag:s23] =	ssyncadd.s32 $0xFFFFFFFF  }
0xa7: {  	s26 =	simm.s32 $execute0_lowered;
	[smem:$0x3FD2] =	sst s25  }
0xa8: {  	s7 =	sshll.u32 s26, $0x1;
	_ =	strace $0x80000046;
	[dreg:$0x1] =	wrdreg $0xFFFFFFFF  }
0xa9: {  	s28 =	simm.s32 $_size_execute0_lowered;
	s5 =	sadd.s32 s5, s7;
	[dreg:$0x0] =	wrdreg $0x0  }
0xaa: {  	s7 =	sshll.u32 s28, $0x1;
	[dreg:$0x2] =	wrdreg s5  }
0xab: {  	[dreg:$0x3] =	wrdreg s7  }
0xac: {  	[dreg:$0x4] =	wrdreg $0xC0  }
0xad: {  	_ =	task [dreg:s9], $0x5FFFF  }
0xae: {  	[dreg:$0x1] =	wrdreg $0xFFFFFFFF  }
0xaf: {  	[dreg:$0x0] =	wrdreg $0x60  }
0xb0: {  	[dreg:$0x2] =	wrdreg s2  }
0xb1: {  	[dreg:$0x3] =	wrdreg s18  }
0xb2: {  	[dreg:$0x4] =	wrdreg s4  }
0xb3: {  	[dreg:$0x5] =	wrdreg s24  }
0xb4: {  	[dreg:$0x6] =	wrdreg $0x9  }
0xb5: {  	_ =	task.clear_ibuf [dreg:s9], $0x7FFFF;
	_ =	strace $0x90000046  }
0xb6: {  	s29 =	simm.s32 $0x9;
	_ =	strace $0x80000048  }
0xb7: {  	_ =	swait.ge [sflag:s29], $0x1  }
0xb8: {  	[sflag:s29] =	ssyncadd.s32 $0xFFFFFFFF  }
0xb9: {  	_ =	strace $0x90000048  }
0xba: {  	_ =	sfence  }
0xbb: {  	s30 =	sld [smem:$0x0];
	_ =	sdelay $0x2  }
0xbc: {  	s31 =	sshll.u32 s1, $0xD;
	s1 =	sshrl.u32 s1, $0x2  }
0xbd: {  	s3 =	sand.u32 $0x4000, s31;
	s1 =	sadd.s32 s1, s30  }
0xbe: {  	s0 =	sor.u32 s3, s0;
	s1 =	sshll.u32 s1, $0x11  }
0xbf: {  	s0 =	sor.u32 s1, s0  }
0xc0: {  	s0 =	sadd.s32 $0x8F2B, s0  }
0xc1: {  	[sflag:s0] =	ssyncadd.remote.s32 $0x1  }
0xc2: {  	_ =	sfence.sel $0xFFFF  }
0xc3: {  	[dreg:$0x0] =	wrdreg $0xFFFFFFFF;
	(pc) =	sbr.abs _section_cstart, $3  }
0xc4: {  	[dreg:$0x1] =	wrdreg $0xFFFFFFFF  }
0xc5: {  	_ =	task.clear_ibuf [dreg:s9], $0x2FFFF;
	_ =	strace $0x9FFFFFFF  }
0xc6: {  	(tm) =	ssettm $0x7FFFFFFF  }
0xc7: {  	_ =	shalt  }
tec
execute0_lowered:
.L_overlay_start_1:
0x0: {  	(tag) =	ssettag $0x1  }
0x1: {  	s20 =	rddreg [dreg:$0x0]  }
0x2: {  	s21 =	rddreg [dreg:$0x1]  }
0x3: {  	s1 =	rddreg [dreg:$0x2]  }
0x4: {  	s11 =	rddreg [dreg:$0x3]  }
0x5: {  	s2 =	srdreg.scid;
	s0 =	rddreg [dreg:$0x4]  }
0x6: {  	s3 =	simm.s32 $0x0;
	s6 =	simm.s32 $0x200;
	s22 =	sand.u32 $0x1, s2  }
0x7: {  	[smem:$0x7FF] =	sst s3;
	s2 =	stileid.u32;
	s4 =	sshll.u32 s22, $0x4  }
0x8: {  	_ =	strace $0x80000047;
	s5 =	sor.u32 s2, s4;
	s4 =	simm.s32 $0x1  }
0x9: {  	[tilespmem:s3], [sflag:$0x1] =	stream.linear.gather [hbm4b:s1+s3], $0x2000, $0x38;
	[tilespmem:$0xB000] =	vst v63  }
0xa: {  	s7 =	simm.s32 $0x400;
	s23 =	sshll.u32 s5, $0xD;
	_ =	swait.ge [sflag:s4], $0x2000  }
0xb: {  	s8 =	simm.s32 $0x2000;
	s12 =	sor.u32 $0x1C0000, s23;
	[sflag:s4] =	ssyncset.done $0x0  }
0xc: {  	s10 =	sshll.u32 s5, $0xB;
	s5 =	sadd.s32 s20, s12;
	[sflag:s4] =	ssyncadd.s32 $0xFFFFE000  }
0xd: {  	[tilespmem:s8], [sflag:$0x1] =	stream.strided.gather [hbm4b:s5+s6], $0x4000, s7, s6, $0x38;
	[tilespmem:$0xB000] =	vst v63  }
0xe: {  	s9 =	sshll.u32 s2, $0x6;
	_ =	swait.ge [sflag:s4], $0x4000  }
0xf: {  	s9 =	sor.u32 s9, s10;
	s10 =	simm.s32 $0x6000;
	[sflag:s4] =	ssyncset.done $0x0  }
0x10: {  	s13 =	sand.u32 $0xF040, s9;
	s9 =	sadd.s32 s21, s12;
	[sflag:s4] =	ssyncadd.s32 $0xFFFFC000  }
0x11: {  	[tilespmem:s10], [sflag:$0x1] =	stream.strided.gather [hbm4b:s9+s6], $0x4000, s7, s6, $0x38;
	[tilespmem:$0xB000] =	vst v63  }
0x12: {  	_ =	swait.ge [sflag:s4], $0x4000  }
0x13: {  	s12 =	simm.s32 $0x80;
	s24 =	sadd.s32 s13, s11;
	[sflag:s4] =	ssyncset.done $0x0  }
0x14: {  	s13 =	simm.s32 $0xA000;
	s11 =	sadd.s32 $0xC00, s24;
	[sflag:s4] =	ssyncadd.s32 $0xFFFFC000  }
0x15: {  	[hbm4b:s11+s12] =	stream.strided.scatter [tilespmem:s13], [sflag:$0x1], $0x1000, s7, s12, $0x38;
	[tilespmem:$0xB000] =	vst v63  }
0x16: {  	_ =	swait.ge [sflag:s4], $0x1000  }
0x17: {  	s15 =	sor.u32 $0x1C0040, s23;
	[sflag:s4] =	ssyncset.done $0x0  }
0x18: {  	s14 =	sadd.s32 s20, s15;
	[sflag:s4] =	ssyncadd.s32 $0xFFFFF000  }
0x19: {  	[tilespmem:s8], [sflag:$0x1] =	stream.strided.gather [hbm4b:s14+s6], $0x4000, s7, s6, $0x38;
	[tilespmem:$0xB000] =	vst v63  }
0x1a: {  	_ =	swait.ge [sflag:s4], $0x4000  }
0x1b: {  	[sflag:s4] =	ssyncset.done $0x0  }
0x1c: {  	s15 =	sadd.s32 s21, s15;
	[sflag:s4] =	ssyncadd.s32 $0xFFFFC000  }
0x1d: {  	[tilespmem:s10], [sflag:$0x1] =	stream.strided.gather [hbm4b:s15+s6], $0x4000, s7, s6, $0x38;
	[tilespmem:$0xB000] =	vst v63  }
0x1e: {  	_ =	swait.ge [sflag:s4], $0x4000  }
0x1f: {  	[sflag:s4] =	ssyncset.done $0x0  }
0x20: {  	s16 =	sadd.s32 $0xC10, s24;
	[sflag:s4] =	ssyncadd.s32 $0xFFFFC000  }
0x21: {  	[hbm4b:s16+s12] =	stream.strided.scatter [tilespmem:s13], [sflag:$0x1], $0x1000, s7, s12, $0x38;
	[tilespmem:$0xB000] =	vst v63  }
0x22: {  	_ =	swait.ge [sflag:s4], $0x1000  }
0x23: {  	s18 =	sor.u32 $0x1C1000, s23;
	[sflag:s4] =	ssyncset.done $0x0  }
0x24: {  	s17 =	sadd.s32 s20, s18;
	[sflag:s4] =	ssyncadd.s32 $0xFFFFF000  }
0x25: {  	[tilespmem:s8], [sflag:$0x1] =	stream.strided.gather [hbm4b:s17+s6], $0x4000, s7, s6, $0x38;
	[tilespmem:$0xB000] =	vst v63  }
0x26: {  	_ =	swait.ge [sflag:s4], $0x4000  }
0x27: {  	[sflag:s4] =	ssyncset.done $0x0  }
0x28: {  	s18 =	sadd.s32 s21, s18;
	[sflag:s4] =	ssyncadd.s32 $0xFFFFC000  }
0x29: {  	[tilespmem:s10], [sflag:$0x1] =	stream.strided.gather [hbm4b:s18+s6], $0x4000, s7, s6, $0x38;
	[tilespmem:$0xB000] =	vst v63  }
0x2a: {  	_ =	swait.ge [sflag:s4], $0x4000  }
0x2b: {  	[sflag:s4] =	ssyncset.done $0x0  }
0x2c: {  	s19 =	sadd.s32 $0xC20, s24;
	[sflag:s4] =	ssyncadd.s32 $0xFFFFC000  }
0x2d: {  	[hbm4b:s19+s12] =	stream.strided.scatter [tilespmem:s13], [sflag:$0x1], $0x1000, s7, s12, $0x38;
	[tilespmem:$0xB000] =	vst v63  }
0x2e: {  	_ =	swait.ge [sflag:s4], $0x1000  }
0x2f: {  	s23 =	sor.u32 $0x1C1040, s23;
	[sflag:s4] =	ssyncset.done $0x0  }
0x30: {  	s22 =	ssub.s32 $0x2, s22;
	s20 =	sadd.s32 s20, s23;
	[sflag:s4] =	ssyncadd.s32 $0xFFFFF000  }
0x31: {  	[tilespmem:s8], [sflag:$0x1] =	stream.strided.gather [hbm4b:s20+s6], $0x4000, s7, s6, $0x38;
	[tilespmem:$0xB000] =	vst v63  }
0x32: {  	s31 =	sshrl.u32 s22, $0x1;
	_ =	swait.ge [sflag:s4], $0x4000  }
0x33: {  	s21 =	sadd.s32 s21, s23;
	s23 =	ssub.s32 s22, s31;
	[sflag:s4] =	ssyncset.done $0x0  }
0x34: {  	s23 =	smax.u32 s23, $0x1;
	[sflag:s4] =	ssyncadd.s32 $0xFFFFC000  }
0x35: {  	[tilespmem:s10], [sflag:$0x1] =	stream.strided.gather [hbm4b:s21+s6], $0x4000, s7, s6, $0x38;
	[tilespmem:$0xB000] =	vst v63  }
0x36: {  	p0 =	sne.s32 s23, $0x1;
	_ =	swait.ge [sflag:s4], $0x4000  }
.Ltmp0:
0x37: {  	[sflag:s4] =	ssyncset.done $0x0;
	(pc) =	sbr.rel @!p0 .LBB2_2-.Ltmp0, $4  }
0x38: {  	s22 =	sadd.s32 $0xC30, s24;
	[sflag:s4] =	ssyncadd.s32 $0xFFFFC000  }
0x39: {  	[hbm4b:s22+s12] =	stream.strided.scatter [tilespmem:s13], [sflag:$0x1], $0x1000, s7, s12, $0x38;
	[tilespmem:$0xB000] =	vst v63  }
0x3a: {  	_ =	swait.ge [sflag:s4], $0x1000  }
0x3b: {  	s23 =	sadd.s32 $0xFFFFFFFF, s23;
	[sflag:s4] =	ssyncset.done $0x0  }
.LBB2_1:
0x3c: {  	p0 =	sne.s32 s23, $0x1;
	s23 =	sadd.s32 $0xFFFFFFFF, s23;
	[sflag:s4] =	ssyncadd.s32 $0xFFFFF000  }
0x3d: {  	[tilespmem:s3], [sflag:$0x1] =	stream.linear.gather [hbm4b:s1+s3], $0x2000, $0x38;
	[tilespmem:$0xB000] =	vst v63  }
0x3e: {  	_ =	swait.ge [sflag:s4], $0x2000  }
0x3f: {  	[sflag:s4] =	ssyncset.done $0x0  }
0x40: {  	[sflag:s4] =	ssyncadd.s32 $0xFFFFE000  }
0x41: {  	[tilespmem:s8], [sflag:$0x1] =	stream.strided.gather [hbm4b:s5+s6], $0x4000, s7, s6, $0x38;
	[tilespmem:$0xB000] =	vst v63  }
0x42: {  	_ =	swait.ge [sflag:s4], $0x4000  }
0x43: {  	[sflag:s4] =	ssyncset.done $0x0  }
0x44: {  	[sflag:s4] =	ssyncadd.s32 $0xFFFFC000  }
0x45: {  	[tilespmem:s10], [sflag:$0x1] =	stream.strided.gather [hbm4b:s9+s6], $0x4000, s7, s6, $0x38;
	[tilespmem:$0xB000] =	vst v63  }
0x46: {  	_ =	swait.ge [sflag:s4], $0x4000  }
0x47: {  	[sflag:s4] =	ssyncset.done $0x0  }
0x48: {  	[sflag:s4] =	ssyncadd.s32 $0xFFFFC000  }
0x49: {  	[hbm4b:s11+s12] =	stream.strided.scatter [tilespmem:s13], [sflag:$0x1], $0x1000, s7, s12, $0x38;
	[tilespmem:$0xB000] =	vst v63  }
0x4a: {  	_ =	swait.ge [sflag:s4], $0x1000  }
0x4b: {  	[sflag:s4] =	ssyncset.done $0x0  }
0x4c: {  	[sflag:s4] =	ssyncadd.s32 $0xFFFFF000  }
0x4d: {  	[tilespmem:s8], [sflag:$0x1] =	stream.strided.gather [hbm4b:s14+s6], $0x4000, s7, s6, $0x38;
	[tilespmem:$0xB000] =	vst v63  }
0x4e: {  	_ =	swait.ge [sflag:s4], $0x4000  }
0x4f: {  	[sflag:s4] =	ssyncset.done $0x0  }
0x50: {  	[sflag:s4] =	ssyncadd.s32 $0xFFFFC000  }
0x51: {  	[tilespmem:s10], [sflag:$0x1] =	stream.strided.gather [hbm4b:s15+s6], $0x4000, s7, s6, $0x38;
	[tilespmem:$0xB000] =	vst v63  }
0x52: {  	_ =	swait.ge [sflag:s4], $0x4000  }
0x53: {  	[sflag:s4] =	ssyncset.done $0x0  }
0x54: {  	[sflag:s4] =	ssyncadd.s32 $0xFFFFC000  }
0x55: {  	[hbm4b:s16+s12] =	stream.strided.scatter [tilespmem:s13], [sflag:$0x1], $0x1000, s7, s12, $0x38;
	[tilespmem:$0xB000] =	vst v63  }
0x56: {  	_ =	swait.ge [sflag:s4], $0x1000  }
0x57: {  	[sflag:s4] =	ssyncset.done $0x0  }
0x58: {  	[sflag:s4] =	ssyncadd.s32 $0xFFFFF000  }
0x59: {  	[tilespmem:s8], [sflag:$0x1] =	stream.strided.gather [hbm4b:s17+s6], $0x4000, s7, s6, $0x38;
	[tilespmem:$0xB000] =	vst v63  }
0x5a: {  	_ =	swait.ge [sflag:s4], $0x4000  }
0x5b: {  	[sflag:s4] =	ssyncset.done $0x0  }
0x5c: {  	[sflag:s4] =	ssyncadd.s32 $0xFFFFC000  }
0x5d: {  	[tilespmem:s10], [sflag:$0x1] =	stream.strided.gather [hbm4b:s18+s6], $0x4000, s7, s6, $0x38;
	[tilespmem:$0xB000] =	vst v63  }
0x5e: {  	_ =	swait.ge [sflag:s4], $0x4000  }
0x5f: {  	[sflag:s4] =	ssyncset.done $0x0  }
0x60: {  	[sflag:s4] =	ssyncadd.s32 $0xFFFFC000  }
0x61: {  	[hbm4b:s19+s12] =	stream.strided.scatter [tilespmem:s13], [sflag:$0x1], $0x1000, s7, s12, $0x38;
	[tilespmem:$0xB000] =	vst v63  }
0x62: {  	_ =	swait.ge [sflag:s4], $0x1000  }
0x63: {  	[sflag:s4] =	ssyncset.done $0x0  }
0x64: {  	[sflag:s4] =	ssyncadd.s32 $0xFFFFF000  }
0x65: {  	[tilespmem:s8], [sflag:$0x1] =	stream.strided.gather [hbm4b:s20+s6], $0x4000, s7, s6, $0x38;
	[tilespmem:$0xB000] =	vst v63  }
0x66: {  	_ =	swait.ge [sflag:s4], $0x4000  }
0x67: {  	[sflag:s4] =	ssyncset.done $0x0  }
0x68: {  	[sflag:s4] =	ssyncadd.s32 $0xFFFFC000  }
0x69: {  	[tilespmem:s10], [sflag:$0x1] =	stream.strided.gather [hbm4b:s21+s6], $0x4000, s7, s6, $0x38;
	[tilespmem:$0xB000] =	vst v63  }
0x6a: {  	_ =	swait.ge [sflag:s4], $0x4000  }
.Ltmp1:
0x6b: {  	[sflag:s4] =	ssyncset.done $0x0;
	(pc) =	sbr.rel @p0 .LBB2_1-.Ltmp1, $4  }
0x6c: {  	[sflag:s4] =	ssyncadd.s32 $0xFFFFC000  }
0x6d: {  	[hbm4b:s22+s12] =	stream.strided.scatter [tilespmem:s13], [sflag:$0x1], $0x1000, s7, s12, $0x38;
	[tilespmem:$0xB000] =	vst v63  }
0x6e: {  	_ =	swait.ge [sflag:s4], $0x1000  }
0x6f: {  	[sflag:s4] =	ssyncset.done $0x0  }
.LBB2_2:
0x70: {  	[sflag:s4] =	ssyncadd.s32 $0xFFFFF000  }
0x71: {  	_ =	sfence.sel $0x180000  }
0x72: {  	[bflag:$0x0] =	sbarrier.arrive $0xFFFF  }
0x73: {  	p0 =	sne.s32 s2, $0x0;
	_ =	strace $0x90000047  }
0x74: {  	s0 =	sadd.s32 @!p0 $0x100000, s0;
	[bflag:$0x2] =	sbarrier.arrive $0xFFFF  }
0x75: {  	[sflag:s0] =	ssyncadd.tile.s32 @!p0 $0x1;
	_ =	shalt  }
.Lfunc_end2:
_tile_overlayer_lowered:
.L_overlay_start_2:
0x76: {  	(tag) =	ssettag $0x2  }
0x77: {  	s0 =	rddreg [dreg:$0x0];
	s2 =	stileid.u32  }
0x78: {  	s1 =	rddreg [dreg:$0x1];
	p0 =	sne.s32 s2, $0x0  }
0x79: {  	s3 =	rddreg [dreg:$0x2];
	[bflag:$0x3] =	sbarrier.arrive $0xFFFF;
	s2 =	simm.s32 @!p0 $0x1C01  }
0x7a: {  	[timem:s3], [sflag:s2] =	dma.local @!p0 [hbm:s0], s1  }
0x7b: {  	s0 =	simm.s32 @!p0 $0x1  }
0x7c: {  	_ =	swait.ge @!p0 [sflag:s0], s1  }
0x7d: {  	s1 =	ssub.s32 @!p0 $0x0, s1;
	[sflag:s0] =	ssyncset.done @!p0 $0x0  }
0x7e: {  	[sflag:s0] =	ssyncadd.s32 @!p0 s1  }
0x7f: {  	[bflag:$0x3] =	sbarrier.arrive $0xFFFF  }
0x80: {  	_ =	shalt  }

</sc_bundles>
